<compile_context>
chip_gen: v7x
topology: tpu7x:2x2x1
jax: 0.10.2.dev20260603
libtpu: 0.0.44.dev20260713+nightly
codegen_flags: <defaults>
</compile_context>

<pallas_src>
import functools

import jax
import jax.numpy as jnp
from jax import lax
from jax.experimental import pallas as pl
from jax.experimental.pallas import tpu as pltpu
from jax.experimental.pallas import tpu_sc as plsc

N = 10000
NP = 10240
E = 320000
F = 64
IN_F = 128
K = 10
ALPHA = 0.1
NT = 16
NPT = NP // NT
CHUNK = 128
NCH = 158
EPT = NCH * CHUNK
EP = NT * EPT
UCH = 64
NUC = NPT // UCH
DEGW = 16

_mesh = plsc.VectorSubcoreMesh(core_axis_name="c", subcore_axis_name="s",
                               num_cores=1)
_sc_params = pltpu.CompilerParams(use_tc_tiling_on_sc=False)


def _fill2d(ref, rows, val):
    cols = ref.shape[1] // 16

    def body(r, _):
        for f in range(cols):
            ref[r, pl.ds(16 * f, 16)] = jnp.full((16,), val, jnp.float32)
        return 0

    lax.fori_loop(0, rows, body, 0)


def _deg_body(src_h, dst_h, odeg_h, ideg_h,
              osh, ish, sidx, didx, ones_v, zv):
    s = lax.axis_index("s")
    nbase = s * NPT
    pltpu.sync_copy(src_h.at[s], sidx)
    pltpu.sync_copy(dst_h.at[s], didx)
    _fill2d(ones_v, CHUNK, 1.0)
    _fill2d(zv, UCH, 0.0)
    for i in range(NPT // UCH):
        pltpu.sync_copy(zv, osh.at[pl.ds(nbase + i * UCH, UCH)])
        pltpu.sync_copy(zv, ish.at[pl.ds(nbase + i * UCH, UCH)])
    plsc.subcore_barrier()

    def chunk(j, _):
        pltpu.sync_copy(ones_v, osh.at[sidx.at[j]], add=True)
        pltpu.sync_copy(ones_v, ish.at[didx.at[j]], add=True)
        return 0

    lax.fori_loop(0, NCH, chunk, 0)
    plsc.subcore_barrier()
    pltpu.sync_copy(osh.at[pl.ds(nbase, NPT)], odeg_h.at[pl.ds(nbase, NPT)])
    pltpu.sync_copy(ish.at[pl.ds(nbase, NPT)], ideg_h.at[pl.ds(nbase, NPT)])


@jax.jit
def _deg(srcp, dstp):
    return pl.kernel(
        _deg_body,
        out_type=[jax.ShapeDtypeStruct((NP, DEGW), jnp.float32),
                  jax.ShapeDtypeStruct((NP, DEGW), jnp.float32)],
        mesh=_mesh,
        scratch_types=[
            pltpu.VMEM_SHARED((NP, DEGW), jnp.float32),
            pltpu.VMEM_SHARED((NP, DEGW), jnp.float32),
            pltpu.VMEM((NCH, CHUNK), jnp.int32),
            pltpu.VMEM((NCH, CHUNK), jnp.int32),
            pltpu.VMEM((CHUNK, DEGW), jnp.float32),
            pltpu.VMEM((UCH, DEGW), jnp.float32),
        ],
        compiler_params=_sc_params,
    )(srcp, dstp)


def _mlp_body(x_ref, od_ref, id_ref, w0_ref, b0_ref, w1_ref, b1_ref,
              w2_ref, b2_ref, g0_ref, c1_ref, d2_ref):
    x = x_ref[...]
    h = jnp.maximum(jnp.dot(x, w0_ref[...],
                            preferred_element_type=jnp.float32) + b0_ref[...], 0.0)
    h = jnp.maximum(jnp.dot(h, w1_ref[...],
                            preferred_element_type=jnp.float32) + b1_ref[...], 0.0)
    h0 = jnp.dot(h, w2_ref[...], preferred_element_type=jnp.float32) + b2_ref[...]
    od = jnp.maximum(od_ref[...], 1.0)
    idg = jnp.maximum(id_ref[...], 1.0)
    onrm = lax.rsqrt(od)
    inrm = lax.rsqrt(idg)
    g0_ref[...] = h0 * onrm
    c1_ref[...] = (1.0 - ALPHA) * onrm * inrm
    d2_ref[...] = jnp.sqrt(od)


@jax.jit
def _mlp(xp, od, idg, w0, b0, w1, b1, w2, b2):
    blk = NPT
    grid = (NP // blk,)
    return pl.pallas_call(
        _mlp_body,
        grid=grid,
        in_specs=[
            pl.BlockSpec((blk, IN_F), lambda i: (i, 0)),
            pl.BlockSpec((blk, 1), lambda i: (i, 0)),
            pl.BlockSpec((blk, 1), lambda i: (i, 0)),
            pl.BlockSpec((IN_F, IN_F), lambda i: (0, 0)),
            pl.BlockSpec((1, IN_F), lambda i: (0, 0)),
            pl.BlockSpec((IN_F, IN_F), lambda i: (0, 0)),
            pl.BlockSpec((1, IN_F), lambda i: (0, 0)),
            pl.BlockSpec((IN_F, F), lambda i: (0, 0)),
            pl.BlockSpec((1, F), lambda i: (0, 0)),
        ],
        out_specs=[
            pl.BlockSpec((blk, F), lambda i: (i, 0)),
            pl.BlockSpec((blk, 1), lambda i: (i, 0)),
            pl.BlockSpec((blk, 1), lambda i: (i, 0)),
        ],
        out_shape=[jax.ShapeDtypeStruct((NP, F), jnp.float32),
                   jax.ShapeDtypeStruct((NP, 1), jnp.float32),
                   jax.ShapeDtypeStruct((NP, 1), jnp.float32)],
    )(xp, od, idg, w0, b0, w1, b1, w2, b2)


def _prop_body(src_h, dst_h, g0_h, c1_h, d2_h, h_out, gbuf_h,
               agg_sh, sidx, didx, rows0, g0ch, c1v, d2v, aggv, gnew, zv):
    s = lax.axis_index("s")
    nbase = s * NPT
    pltpu.sync_copy(src_h.at[s], sidx)
    pltpu.sync_copy(dst_h.at[s], didx)
    pltpu.sync_copy(c1_h.at[pl.ds(nbase, NPT)], c1v.at[pl.ds(0, NPT)])
    pltpu.sync_copy(d2_h.at[pl.ds(nbase, NPT)], d2v.at[pl.ds(0, NPT)])
    _fill2d(zv, UCH, 0.0)
    for i in range(NUC):
        pltpu.sync_copy(zv, agg_sh.at[pl.ds(nbase + i * UCH, UCH)])
    plsc.subcore_barrier()

    def _edge_phase(table_h):
        def chunk(j, _c):
            pltpu.sync_copy(table_h.at[sidx.at[j]], rows0)
            pltpu.sync_copy(rows0, agg_sh.at[didx.at[j]], add=True)
            return 0

        lax.fori_loop(0, NCH, chunk, 0)

    def step(t, _):
        @pl.when(t == 0)
        def _():
            _edge_phase(g0_h)

        @pl.when(t > 0)
        def _():
            _edge_phase(gbuf_h)

        plsc.subcore_barrier()

        for i in range(NUC):
            nb_l = i * UCH
            nb = nbase + nb_l
            pltpu.sync_copy(agg_sh.at[pl.ds(nb, UCH)], aggv)
            pltpu.sync_copy(zv, agg_sh.at[pl.ds(nb, UCH)])
            pltpu.sync_copy(g0_h.at[pl.ds(nb, UCH)], g0ch)

            def noderow(r, _n):
                c1s = c1v[pl.ds(nb_l + r, 16)][0]
                for f in range(F // 16):
                    col = pl.ds(16 * f, 16)
                    gnew[r, col] = aggv[r, col] * c1s + ALPHA * g0ch[r, col]
                return 0

            lax.fori_loop(0, UCH, noderow, 0)

            @pl.when(t < K - 1)
            def _():
                pltpu.sync_copy(gnew, gbuf_h.at[pl.ds(nb, UCH)])

            @pl.when(t == K - 1)
            def _():
                def finrow(r, _n):
                    d2s = d2v[pl.ds(nb_l + r, 16)][0]
                    for f in range(F // 16):
                        col = pl.ds(16 * f, 16)
                        gnew[r, col] = gnew[r, col] * d2s
                    return 0

                lax.fori_loop(0, UCH, finrow, 0)

                @pl.when(nb + UCH <= N)
                def _():
                    pltpu.sync_copy(gnew, h_out.at[pl.ds(nb, UCH)])

                @pl.when(jnp.logical_and(nb < N, nb + UCH > N))
                def _():
                    pltpu.sync_copy(gnew.at[pl.ds(0, N % UCH)],
                                    h_out.at[pl.ds(nb, N % UCH)])
        plsc.subcore_barrier()
        return 0

    lax.fori_loop(0, K, step, 0)


@jax.jit
def _prop(srcp, dstp, g0, c1, d2):
    return pl.kernel(
        _prop_body,
        out_type=[jax.ShapeDtypeStruct((N, F), jnp.float32),
                  jax.ShapeDtypeStruct((NP, F), jnp.float32)],
        mesh=_mesh,
        scratch_types=[
            pltpu.VMEM_SHARED((NP, F), jnp.float32),
            pltpu.VMEM((NCH, CHUNK), jnp.int32),
            pltpu.VMEM((NCH, CHUNK), jnp.int32),
            pltpu.VMEM((CHUNK, F), jnp.float32),
            pltpu.VMEM((UCH, F), jnp.float32),
            pltpu.VMEM((NPT + 16,), jnp.float32),
            pltpu.VMEM((NPT + 16,), jnp.float32),
            pltpu.VMEM((UCH, F), jnp.float32),
            pltpu.VMEM((UCH, F), jnp.float32),
            pltpu.VMEM((UCH, F), jnp.float32),
        ],
        compiler_params=_sc_params,
    )(srcp, dstp, g0, c1, d2)


def kernel(features, edge_index, W0, b0, W1, b1, W2, b2):
    src = edge_index[0].astype(jnp.int32)
    dst = edge_index[1].astype(jnp.int32)
    pad_e = EP - E
    pad_idx = jnp.full((pad_e,), NP - 1, jnp.int32)
    srcp = jnp.concatenate([src, pad_idx]).reshape(NT, NCH, CHUNK)
    dstp = jnp.concatenate([dst, pad_idx]).reshape(NT, NCH, CHUNK)
    od, idg = _deg(srcp, dstp)
    xp = jnp.concatenate(
        [features, jnp.zeros((NP - N, IN_F), jnp.float32)], axis=0)
    g0, c1, d2 = _mlp(xp, od[:, :1], idg[:, :1],
                      W0, b0.reshape(1, IN_F), W1, b1.reshape(1, IN_F),
                      W2, b2.reshape(1, F))
    h, _ = _prop(srcp, dstp, g0, c1.reshape(NP), d2.reshape(NP))
    return h

# --- scband reference (transcript-rebuilt; emitter-appended) ---
"""Pipeline reference for scband-appnp-30279519437686 (READ-ONLY COPY).

The authoritative reference and input builder live on the scoring server;
editing this copy changes nothing except your own understanding.
"""

import jax, jax.numpy as jnp
import numpy as np

N_NODES = 10000
N_EDGES = 320000
IN_FEATS = 128
HIDDEN = 128
N_CLASSES = 64
K = 10
ALPHA = 0.1


def setup_inputs(seed: int = 0) -> dict:
    key = jax.random.key(seed)
    ks = jax.random.split(key, 8)
    features = jax.random.normal(ks[0], (N_NODES, IN_FEATS), dtype=jnp.float32)
    edge_index = jax.random.randint(ks[1], (2, N_EDGES), 0, N_NODES, dtype=jnp.int32)
    W0 = jax.random.normal(ks[2], (IN_FEATS, HIDDEN), dtype=jnp.float32) * (1.0 / np.sqrt(IN_FEATS))
    b0 = jnp.zeros((HIDDEN,), dtype=jnp.float32)
    W1 = jax.random.normal(ks[3], (HIDDEN, HIDDEN), dtype=jnp.float32) * (1.0 / np.sqrt(HIDDEN))
    b1 = jnp.zeros((HIDDEN,), dtype=jnp.float32)
    W2 = jax.random.normal(ks[4], (HIDDEN, N_CLASSES), dtype=jnp.float32) * (1.0 / np.sqrt(HIDDEN))
    b2 = jnp.zeros((N_CLASSES,), dtype=jnp.float32)
    return {"features": features, "edge_index": edge_index, "W0": W0, "b0": b0, "W1": W1, "b1": b1, "W2": W2, "b2": b2}


def reference(features, edge_index, W0, b0, W1, b1, W2, b2):
    src = edge_index[0]
    dst = edge_index[1]
    n = features.shape[0]
    ones = jnp.ones((src.shape[0],), dtype=features.dtype)
    out_deg = jax.ops.segment_sum(ones, src, num_segments=n)
    in_deg = jax.ops.segment_sum(ones, dst, num_segments=n)
    out_norm = jnp.power(jnp.clip(out_deg, 1.0, None), -0.5)
    in_norm = jnp.power(jnp.clip(in_deg, 1.0, None), -0.5)
    # MLP (dropout disabled: feat_drop=0)
    h = jax.nn.relu(features @ W0 + b0)
    h = jax.nn.relu(h @ W1 + b1)
    h = h @ W2 + b2
    # APPNP propagation with symmetric normalization
    h0 = h
    for _ in range(K):
        hs = h * out_norm[:, None]
        m = jnp.take(hs, src, axis=0)
        agg = jax.ops.segment_sum(m, dst, num_segments=n)
        h = agg * in_norm[:, None]
        h = (1.0 - ALPHA) * h + ALPHA * h0
    return h

if __name__ == "__main__":
    import jax
    _d = setup_inputs()
    print(jax.jit(kernel)(*tuple(_d.values())))

</pallas_src>

<mosaic_0001>
#map = affine_map<(d0, d1) -> (0, 0, 0)>
#map1 = affine_map<(d0, d1) -> (0, 0)>
module attributes {stable_mosaic.version = 14 : i64} {
  func.func @_deg_body(%arg0: i32, %arg1: i32, %arg2: memref<16x158x128xi32, #tpu.memory_space<hbm>>, %arg3: memref<16x158x128xi32, #tpu.memory_space<hbm>>, %arg4: memref<10240x16xf32, #tpu.memory_space<hbm>>, %arg5: memref<10240x16xf32, #tpu.memory_space<hbm>>, %arg6: memref<10240x16xf32, #tpu.memory_space<vmem_shared>>, %arg7: memref<10240x16xf32, #tpu.memory_space<vmem_shared>>, %arg8: memref<158x128xi32, #tpu.memory_space<vmem>>, %arg9: memref<158x128xi32, #tpu.memory_space<vmem>>, %arg10: memref<128x16xf32, #tpu.memory_space<vmem>>, %arg11: memref<64x16xf32, #tpu.memory_space<vmem>>) attributes {dimension_semantics = [#tpu.dimension_semantics<core_parallel>, #tpu.dimension_semantics<subcore_parallel>], iteration_bounds = array<i64: 1, 16>, scalar_prefetch = 0 : i64, scratch_operands = 6 : i64, tpu.core_type = #tpu.core_type<sc_vector_subcore>, window_params = [{transform_indices = #map}, {transform_indices = #map}, {transform_indices = #map1}, {transform_indices = #map1}]} {
    %mul3A = arith.constant 640 : i32
    %mul3A_0 = arith.muli %arg1, %mul3A : i32
    "tpu.region"() ({
      %run_scoped3A = tpu.sem_alloc : memref<!tpu.dma_semaphore, #tpu.memory_space<semaphore_mem>>
      %dma_start3A = arith.constant 0 : i32
      %dma_start3A_61 = arith.constant 0 : i32
      %dma_start3A_62 = tpu.memref_slice %arg2[%arg1, %dma_start3A, %dma_start3A_61] : memref<16x158x128xi32, #tpu.memory_space<hbm>> -> memref<1x158x128xi32, #tpu.memory_space<hbm>>
      %dma_start3A_63 = tpu.memref_squeeze %dma_start3A_62 : memref<1x158x128xi32, #tpu.memory_space<hbm>> -> memref<158x128xi32, #tpu.memory_space<hbm>>
      %dma_start3A_64 = arith.constant 0 : i32
      %dma_start3A_65 = arith.constant 0 : i32
      %dma_start3A_66 = tpu.memref_slice %arg2[%arg1, %dma_start3A_64, %dma_start3A_65] : memref<16x158x128xi32, #tpu.memory_space<hbm>> -> memref<1x158x128xi32, #tpu.memory_space<hbm>>
      %dma_start3A_67 = tpu.memref_squeeze %dma_start3A_66 : memref<1x158x128xi32, #tpu.memory_space<hbm>> -> memref<158x128xi32, #tpu.memory_space<hbm>>
      tpu.enqueue_dma source(%dma_start3A_67 : memref<158x128xi32, #tpu.memory_space<hbm>>) target(%arg8 : memref<158x128xi32, #tpu.memory_space<vmem>>) target_semaphore(%run_scoped3A : memref<!tpu.dma_semaphore, #tpu.memory_space<semaphore_mem>>)
      %dma_wait3A = arith.constant 0 : i32
      %dma_wait3A_68 = arith.constant 0 : i32
      %dma_wait3A_69 = tpu.memref_slice %arg2[%arg1, %dma_wait3A, %dma_wait3A_68] : memref<16x158x128xi32, #tpu.memory_space<hbm>> -> memref<1x158x128xi32, #tpu.memory_space<hbm>>
      %dma_wait3A_70 = tpu.memref_squeeze %dma_wait3A_69 : memref<1x158x128xi32, #tpu.memory_space<hbm>> -> memref<158x128xi32, #tpu.memory_space<hbm>>
      %dma_wait3A_71 = arith.constant 0 : i32
      %dma_wait3A_72 = arith.constant 0 : i32
      %dma_wait3A_73 = tpu.memref_slice %arg2[%arg1, %dma_wait3A_71, %dma_wait3A_72] : memref<16x158x128xi32, #tpu.memory_space<hbm>> -> memref<1x158x128xi32, #tpu.memory_space<hbm>>
      %dma_wait3A_74 = tpu.memref_squeeze %dma_wait3A_73 : memref<1x158x128xi32, #tpu.memory_space<hbm>> -> memref<158x128xi32, #tpu.memory_space<hbm>>
      tpu.wait_dma2 semaphore(%run_scoped3A : memref<!tpu.dma_semaphore, #tpu.memory_space<semaphore_mem>>) src(%dma_wait3A_74 : memref<158x128xi32, #tpu.memory_space<hbm>>) dst(%arg8 : memref<158x128xi32, #tpu.memory_space<vmem>>)
      tpu.yield
    }) : () -> ()
    "tpu.region"() ({
      %run_scoped3A = tpu.sem_alloc : memref<!tpu.dma_semaphore, #tpu.memory_space<semaphore_mem>>
      %dma_start3A = arith.constant 0 : i32
      %dma_start3A_61 = arith.constant 0 : i32
      %dma_start3A_62 = tpu.memref_slice %arg3[%arg1, %dma_start3A, %dma_start3A_61] : memref<16x158x128xi32, #tpu.memory_space<hbm>> -> memref<1x158x128xi32, #tpu.memory_space<hbm>>
      %dma_start3A_63 = tpu.memref_squeeze %dma_start3A_62 : memref<1x158x128xi32, #tpu.memory_space<hbm>> -> memref<158x128xi32, #tpu.memory_space<hbm>>
      %dma_start3A_64 = arith.constant 0 : i32
      %dma_start3A_65 = arith.constant 0 : i32
      %dma_start3A_66 = tpu.memref_slice %arg3[%arg1, %dma_start3A_64, %dma_start3A_65] : memref<16x158x128xi32, #tpu.memory_space<hbm>> -> memref<1x158x128xi32, #tpu.memory_space<hbm>>
      %dma_start3A_67 = tpu.memref_squeeze %dma_start3A_66 : memref<1x158x128xi32, #tpu.memory_space<hbm>> -> memref<158x128xi32, #tpu.memory_space<hbm>>
      tpu.enqueue_dma source(%dma_start3A_67 : memref<158x128xi32, #tpu.memory_space<hbm>>) target(%arg9 : memref<158x128xi32, #tpu.memory_space<vmem>>) target_semaphore(%run_scoped3A : memref<!tpu.dma_semaphore, #tpu.memory_space<semaphore_mem>>)
      %dma_wait3A = arith.constant 0 : i32
      %dma_wait3A_68 = arith.constant 0 : i32
      %dma_wait3A_69 = tpu.memref_slice %arg3[%arg1, %dma_wait3A, %dma_wait3A_68] : memref<16x158x128xi32, #tpu.memory_space<hbm>> -> memref<1x158x128xi32, #tpu.memory_space<hbm>>
      %dma_wait3A_70 = tpu.memref_squeeze %dma_wait3A_69 : memref<1x158x128xi32, #tpu.memory_space<hbm>> -> memref<158x128xi32, #tpu.memory_space<hbm>>
      %dma_wait3A_71 = arith.constant 0 : i32
      %dma_wait3A_72 = arith.constant 0 : i32
      %dma_wait3A_73 = tpu.memref_slice %arg3[%arg1, %dma_wait3A_71, %dma_wait3A_72] : memref<16x158x128xi32, #tpu.memory_space<hbm>> -> memref<1x158x128xi32, #tpu.memory_space<hbm>>
      %dma_wait3A_74 = tpu.memref_squeeze %dma_wait3A_73 : memref<1x158x128xi32, #tpu.memory_space<hbm>> -> memref<158x128xi32, #tpu.memory_space<hbm>>
      tpu.wait_dma2 semaphore(%run_scoped3A : memref<!tpu.dma_semaphore, #tpu.memory_space<semaphore_mem>>) src(%dma_wait3A_74 : memref<158x128xi32, #tpu.memory_space<hbm>>) dst(%arg9 : memref<158x128xi32, #tpu.memory_space<vmem>>)
      tpu.yield
    }) : () -> ()
    %scan3A = arith.constant 0 : i32
    %scan3A_1 = arith.constant 0 : i32
    %scan3A_2 = arith.constant 128 : i32
    %scan3A_3 = arith.addi %scan3A_1, %scan3A_2 : i32
    %scan3A_4 = arith.constant 1 : i32
    %scan3A_5 = scf.for %scan3A_61 = %scan3A_1 to %scan3A_3 step %scan3A_4 iter_args(%scan3A_62 = %scan3A) -> (i32)  : i32 {
      %broadcast_in_dim3A = arith.constant 1.000000e+00 : f32
      %broadcast_in_dim3A_63 = vector.broadcast %broadcast_in_dim3A : f32 to vector<16xf32>
      %swap3A = arith.index_cast %scan3A_61 : i32 to index
      %swap3A_64 = arith.constant 0 : index
      %swap3A_65 = tpu.vector_load %arg10[%swap3A, %swap3A_64] {strides = array<i32>} : memref<128x16xf32, #tpu.memory_space<vmem>>, vector<1x16xf32>,
      %swap3A_66 = vector.shape_cast %swap3A_65 : vector<1x16xf32> to vector<16xf32>
      %swap3A_67 = vector.shape_cast %broadcast_in_dim3A_63 : vector<16xf32> to vector<1x16xf32>
      tpu.vector_store %arg10[%swap3A, %swap3A_64], %swap3A_67 {strides = array<i32>} : memref<128x16xf32, #tpu.memory_space<vmem>>, vector<1x16xf32>,
      %scan3A_68 = arith.constant 0 : i32
      scf.yield %scan3A_68 : i32
    }
    %scan3A_6 = arith.constant 128 : i32
    %scan3A_7 = arith.constant 0 : i32
    %scan3A_8 = arith.constant 0 : i32
    %scan3A_9 = arith.constant 64 : i32
    %scan3A_10 = arith.addi %scan3A_8, %scan3A_9 : i32
    %scan3A_11 = arith.constant 1 : i32
    %scan3A_12 = scf.for %scan3A_61 = %scan3A_8 to %scan3A_10 step %scan3A_11 iter_args(%scan3A_62 = %scan3A_7) -> (i32)  : i32 {
      %broadcast_in_dim3A = arith.constant 0.000000e+00 : f32
      %broadcast_in_dim3A_63 = vector.broadcast %broadcast_in_dim3A : f32 to vector<16xf32>
      %swap3A = arith.index_cast %scan3A_61 : i32 to index
      %swap3A_64 = arith.constant 0 : index
      %swap3A_65 = tpu.vector_load %arg11[%swap3A, %swap3A_64] {strides = array<i32>} : memref<64x16xf32, #tpu.memory_space<vmem>>, vector<1x16xf32>,
      %swap3A_66 = vector.shape_cast %swap3A_65 : vector<1x16xf32> to vector<16xf32>
      %swap3A_67 = vector.shape_cast %broadcast_in_dim3A_63 : vector<16xf32> to vector<1x16xf32>
      tpu.vector_store %arg11[%swap3A, %swap3A_64], %swap3A_67 {strides = array<i32>} : memref<64x16xf32, #tpu.memory_space<vmem>>, vector<1x16xf32>,
      %scan3A_68 = arith.constant 0 : i32
      scf.yield %scan3A_68 : i32
    }
    %scan3A_13 = arith.constant 64 : i32
    %add3A = arith.constant 0 : i32
    %add3A_14 = arith.addi %mul3A_0, %add3A : i32
    "tpu.region"() ({
      %run_scoped3A = tpu.sem_alloc : memref<!tpu.dma_semaphore, #tpu.memory_space<semaphore_mem>>
      %dma_start3A = arith.constant 0 : i32
      %dma_start3A_61 = tpu.memref_slice %arg6[%add3A_14, %dma_start3A] : memref<10240x16xf32, #tpu.memory_space<vmem_shared>> -> memref<64x16xf32, #tpu.memory_space<vmem_shared>>
      %dma_start3A_62 = arith.constant 0 : i32
      %dma_start3A_63 = tpu.memref_slice %arg6[%add3A_14, %dma_start3A_62] : memref<10240x16xf32, #tpu.memory_space<vmem_shared>> -> memref<64x16xf32, #tpu.memory_space<vmem_shared>>
      tpu.enqueue_dma source(%arg11 : memref<64x16xf32, #tpu.memory_space<vmem>>) target(%dma_start3A_63 : memref<64x16xf32, #tpu.memory_space<vmem_shared>>) target_semaphore(%run_scoped3A : memref<!tpu.dma_semaphore, #tpu.memory_space<semaphore_mem>>)
      %dma_wait3A = arith.constant 0 : i32
      %dma_wait3A_64 = tpu.memref_slice %arg6[%add3A_14, %dma_wait3A] : memref<10240x16xf32, #tpu.memory_space<vmem_shared>> -> memref<64x16xf32, #tpu.memory_space<vmem_shared>>
      %dma_wait3A_65 = arith.constant 0 : i32
      %dma_wait3A_66 = tpu.memref_slice %arg6[%add3A_14, %dma_wait3A_65] : memref<10240x16xf32, #tpu.memory_space<vmem_shared>> -> memref<64x16xf32, #tpu.memory_space<vmem_shared>>
      tpu.wait_dma2 semaphore(%run_scoped3A : memref<!tpu.dma_semaphore, #tpu.memory_space<semaphore_mem>>) src(%arg11 : memref<64x16xf32, #tpu.memory_space<vmem>>) dst(%dma_wait3A_66 : memref<64x16xf32, #tpu.memory_space<vmem_shared>>)
      tpu.yield
    }) : () -> ()
    %add3A_15 = arith.constant 0 : i32
    %add3A_16 = arith.addi %mul3A_0, %add3A_15 : i32
    "tpu.region"() ({
      %run_scoped3A = tpu.sem_alloc : memref<!tpu.dma_semaphore, #tpu.memory_space<semaphore_mem>>
      %dma_start3A = arith.constant 0 : i32
      %dma_start3A_61 = tpu.memref_slice %arg7[%add3A_16, %dma_start3A] : memref<10240x16xf32, #tpu.memory_space<vmem_shared>> -> memref<64x16xf32, #tpu.memory_space<vmem_shared>>
      %dma_start3A_62 = arith.constant 0 : i32
      %dma_start3A_63 = tpu.memref_slice %arg7[%add3A_16, %dma_start3A_62] : memref<10240x16xf32, #tpu.memory_space<vmem_shared>> -> memref<64x16xf32, #tpu.memory_space<vmem_shared>>
      tpu.enqueue_dma source(%arg11 : memref<64x16xf32, #tpu.memory_space<vmem>>) target(%dma_start3A_63 : memref<64x16xf32, #tpu.memory_space<vmem_shared>>) target_semaphore(%run_scoped3A : memref<!tpu.dma_semaphore, #tpu.memory_space<semaphore_mem>>)
      %dma_wait3A = arith.constant 0 : i32
      %dma_wait3A_64 = tpu.memref_slice %arg7[%add3A_16, %dma_wait3A] : memref<10240x16xf32, #tpu.memory_space<vmem_shared>> -> memref<64x16xf32, #tpu.memory_space<vmem_shared>>
      %dma_wait3A_65 = arith.constant 0 : i32
      %dma_wait3A_66 = tpu.memref_slice %arg7[%add3A_16, %dma_wait3A_65] : memref<10240x16xf32, #tpu.memory_space<vmem_shared>> -> memref<64x16xf32, #tpu.memory_space<vmem_shared>>
      tpu.wait_dma2 semaphore(%run_scoped3A : memref<!tpu.dma_semaphore, #tpu.memory_space<semaphore_mem>>) src(%arg11 : memref<64x16xf32, #tpu.memory_space<vmem>>) dst(%dma_wait3A_66 : memref<64x16xf32, #tpu.memory_space<vmem_shared>>)
      tpu.yield
    }) : () -> ()
    %add3A_17 = arith.constant 64 : i32
    %add3A_18 = arith.addi %mul3A_0, %add3A_17 : i32
    "tpu.region"() ({
      %run_scoped3A = tpu.sem_alloc : memref<!tpu.dma_semaphore, #tpu.memory_space<semaphore_mem>>
      %dma_start3A = arith.constant 0 : i32
      %dma_start3A_61 = tpu.memref_slice %arg6[%add3A_18, %dma_start3A] : memref<10240x16xf32, #tpu.memory_space<vmem_shared>> -> memref<64x16xf32, #tpu.memory_space<vmem_shared>>
      %dma_start3A_62 = arith.constant 0 : i32
      %dma_start3A_63 = tpu.memref_slice %arg6[%add3A_18, %dma_start3A_62] : memref<10240x16xf32, #tpu.memory_space<vmem_shared>> -> memref<64x16xf32, #tpu.memory_space<vmem_shared>>
      tpu.enqueue_dma source(%arg11 : memref<64x16xf32, #tpu.memory_space<vmem>>) target(%dma_start3A_63 : memref<64x16xf32, #tpu.memory_space<vmem_shared>>) target_semaphore(%run_scoped3A : memref<!tpu.dma_semaphore, #tpu.memory_space<semaphore_mem>>)
      %dma_wait3A = arith.constant 0 : i32
      %dma_wait3A_64 = tpu.memref_slice %arg6[%add3A_18, %dma_wait3A] : memref<10240x16xf32, #tpu.memory_space<vmem_shared>> -> memref<64x16xf32, #tpu.memory_space<vmem_shared>>
      %dma_wait3A_65 = arith.constant 0 : i32
      %dma_wait3A_66 = tpu.memref_slice %arg6[%add3A_18, %dma_wait3A_65] : memref<10240x16xf32, #tpu.memory_space<vmem_shared>> -> memref<64x16xf32, #tpu.memory_space<vmem_shared>>
      tpu.wait_dma2 semaphore(%run_scoped3A : memref<!tpu.dma_semaphore, #tpu.memory_space<semaphore_mem>>) src(%arg11 : memref<64x16xf32, #tpu.memory_space<vmem>>) dst(%dma_wait3A_66 : memref<64x16xf32, #tpu.memory_space<vmem_shared>>)
      tpu.yield
    }) : () -> ()
    %add3A_19 = arith.constant 64 : i32
    %add3A_20 = arith.addi %mul3A_0, %add3A_19 : i32
    "tpu.region"() ({
      %run_scoped3A = tpu.sem_alloc : memref<!tpu.dma_semaphore, #tpu.memory_space<semaphore_mem>>
      %dma_start3A = arith.constant 0 : i32
      %dma_start3A_61 = tpu.memref_slice %arg7[%add3A_20, %dma_start3A] : memref<10240x16xf32, #tpu.memory_space<vmem_shared>> -> memref<64x16xf32, #tpu.memory_space<vmem_shared>>
      %dma_start3A_62 = arith.constant 0 : i32
      %dma_start3A_63 = tpu.memref_slice %arg7[%add3A_20, %dma_start3A_62] : memref<10240x16xf32, #tpu.memory_space<vmem_shared>> -> memref<64x16xf32, #tpu.memory_space<vmem_shared>>
      tpu.enqueue_dma source(%arg11 : memref<64x16xf32, #tpu.memory_space<vmem>>) target(%dma_start3A_63 : memref<64x16xf32, #tpu.memory_space<vmem_shared>>) target_semaphore(%run_scoped3A : memref<!tpu.dma_semaphore, #tpu.memory_space<semaphore_mem>>)
      %dma_wait3A = arith.constant 0 : i32
      %dma_wait3A_64 = tpu.memref_slice %arg7[%add3A_20, %dma_wait3A] : memref<10240x16xf32, #tpu.memory_space<vmem_shared>> -> memref<64x16xf32, #tpu.memory_space<vmem_shared>>
      %dma_wait3A_65 = arith.constant 0 : i32
      %dma_wait3A_66 = tpu.memref_slice %arg7[%add3A_20, %dma_wait3A_65] : memref<10240x16xf32, #tpu.memory_space<vmem_shared>> -> memref<64x16xf32, #tpu.memory_space<vmem_shared>>
      tpu.wait_dma2 semaphore(%run_scoped3A : memref<!tpu.dma_semaphore, #tpu.memory_space<semaphore_mem>>) src(%arg11 : memref<64x16xf32, #tpu.memory_space<vmem>>) dst(%dma_wait3A_66 : memref<64x16xf32, #tpu.memory_space<vmem_shared>>)
      tpu.yield
    }) : () -> ()
    %add3A_21 = arith.constant 128 : i32
    %add3A_22 = arith.addi %mul3A_0, %add3A_21 : i32
    "tpu.region"() ({
      %run_scoped3A = tpu.sem_alloc : memref<!tpu.dma_semaphore, #tpu.memory_space<semaphore_mem>>
      %dma_start3A = arith.constant 0 : i32
      %dma_start3A_61 = tpu.memref_slice %arg6[%add3A_22, %dma_start3A] : memref<10240x16xf32, #tpu.memory_space<vmem_shared>> -> memref<64x16xf32, #tpu.memory_space<vmem_shared>>
      %dma_start3A_62 = arith.constant 0 : i32
      %dma_start3A_63 = tpu.memref_slice %arg6[%add3A_22, %dma_start3A_62] : memref<10240x16xf32, #tpu.memory_space<vmem_shared>> -> memref<64x16xf32, #tpu.memory_space<vmem_shared>>
      tpu.enqueue_dma source(%arg11 : memref<64x16xf32, #tpu.memory_space<vmem>>) target(%dma_start3A_63 : memref<64x16xf32, #tpu.memory_space<vmem_shared>>) target_semaphore(%run_scoped3A : memref<!tpu.dma_semaphore, #tpu.memory_space<semaphore_mem>>)
      %dma_wait3A = arith.constant 0 : i32
      %dma_wait3A_64 = tpu.memref_slice %arg6[%add3A_22, %dma_wait3A] : memref<10240x16xf32, #tpu.memory_space<vmem_shared>> -> memref<64x16xf32, #tpu.memory_space<vmem_shared>>
      %dma_wait3A_65 = arith.constant 0 : i32
      %dma_wait3A_66 = tpu.memref_slice %arg6[%add3A_22, %dma_wait3A_65] : memref<10240x16xf32, #tpu.memory_space<vmem_shared>> -> memref<64x16xf32, #tpu.memory_space<vmem_shared>>
      tpu.wait_dma2 semaphore(%run_scoped3A : memref<!tpu.dma_semaphore, #tpu.memory_space<semaphore_mem>>) src(%arg11 : memref<64x16xf32, #tpu.memory_space<vmem>>) dst(%dma_wait3A_66 : memref<64x16xf32, #tpu.memory_space<vmem_shared>>)
      tpu.yield
    }) : () -> ()
    %add3A_23 = arith.constant 128 : i32
    %add3A_24 = arith.addi %mul3A_0, %add3A_23 : i32
    "tpu.region"() ({
      %run_scoped3A = tpu.sem_alloc : memref<!tpu.dma_semaphore, #tpu.memory_space<semaphore_mem>>
      %dma_start3A = arith.constant 0 : i32
      %dma_start3A_61 = tpu.memref_slice %arg7[%add3A_24, %dma_start3A] : memref<10240x16xf32, #tpu.memory_space<vmem_shared>> -> memref<64x16xf32, #tpu.memory_space<vmem_shared>>
      %dma_start3A_62 = arith.constant 0 : i32
      %dma_start3A_63 = tpu.memref_slice %arg7[%add3A_24, %dma_start3A_62] : memref<10240x16xf32, #tpu.memory_space<vmem_shared>> -> memref<64x16xf32, #tpu.memory_space<vmem_shared>>
      tpu.enqueue_dma source(%arg11 : memref<64x16xf32, #tpu.memory_space<vmem>>) target(%dma_start3A_63 : memref<64x16xf32, #tpu.memory_space<vmem_shared>>) target_semaphore(%run_scoped3A : memref<!tpu.dma_semaphore, #tpu.memory_space<semaphore_mem>>)
      %dma_wait3A = arith.constant 0 : i32
      %dma_wait3A_64 = tpu.memref_slice %arg7[%add3A_24, %dma_wait3A] : memref<10240x16xf32, #tpu.memory_space<vmem_shared>> -> memref<64x16xf32, #tpu.memory_space<vmem_shared>>
      %dma_wait3A_65 = arith.constant 0 : i32
      %dma_wait3A_66 = tpu.memref_slice %arg7[%add3A_24, %dma_wait3A_65] : memref<10240x16xf32, #tpu.memory_space<vmem_shared>> -> memref<64x16xf32, #tpu.memory_space<vmem_shared>>
      tpu.wait_dma2 semaphore(%run_scoped3A : memref<!tpu.dma_semaphore, #tpu.memory_space<semaphore_mem>>) src(%arg11 : memref<64x16xf32, #tpu.memory_space<vmem>>) dst(%dma_wait3A_66 : memref<64x16xf32, #tpu.memory_space<vmem_shared>>)
      tpu.yield
    }) : () -> ()
    %add3A_25 = arith.constant 192 : i32
    %add3A_26 = arith.addi %mul3A_0, %add3A_25 : i32
    "tpu.region"() ({
      %run_scoped3A = tpu.sem_alloc : memref<!tpu.dma_semaphore, #tpu.memory_space<semaphore_mem>>
      %dma_start3A = arith.constant 0 : i32
      %dma_start3A_61 = tpu.memref_slice %arg6[%add3A_26, %dma_start3A] : memref<10240x16xf32, #tpu.memory_space<vmem_shared>> -> memref<64x16xf32, #tpu.memory_space<vmem_shared>>
      %dma_start3A_62 = arith.constant 0 : i32
      %dma_start3A_63 = tpu.memref_slice %arg6[%add3A_26, %dma_start3A_62] : memref<10240x16xf32, #tpu.memory_space<vmem_shared>> -> memref<64x16xf32, #tpu.memory_space<vmem_shared>>
      tpu.enqueue_dma source(%arg11 : memref<64x16xf32, #tpu.memory_space<vmem>>) target(%dma_start3A_63 : memref<64x16xf32, #tpu.memory_space<vmem_shared>>) target_semaphore(%run_scoped3A : memref<!tpu.dma_semaphore, #tpu.memory_space<semaphore_mem>>)
      %dma_wait3A = arith.constant 0 : i32
      %dma_wait3A_64 = tpu.memref_slice %arg6[%add3A_26, %dma_wait3A] : memref<10240x16xf32, #tpu.memory_space<vmem_shared>> -> memref<64x16xf32, #tpu.memory_space<vmem_shared>>
      %dma_wait3A_65 = arith.constant 0 : i32
      %dma_wait3A_66 = tpu.memref_slice %arg6[%add3A_26, %dma_wait3A_65] : memref<10240x16xf32, #tpu.memory_space<vmem_shared>> -> memref<64x16xf32, #tpu.memory_space<vmem_shared>>
      tpu.wait_dma2 semaphore(%run_scoped3A : memref<!tpu.dma_semaphore, #tpu.memory_space<semaphore_mem>>) src(%arg11 : memref<64x16xf32, #tpu.memory_space<vmem>>) dst(%dma_wait3A_66 : memref<64x16xf32, #tpu.memory_space<vmem_shared>>)
      tpu.yield
    }) : () -> ()
    %add3A_27 = arith.constant 192 : i32
    %add3A_28 = arith.addi %mul3A_0, %add3A_27 : i32
    "tpu.region"() ({
      %run_scoped3A = tpu.sem_alloc : memref<!tpu.dma_semaphore, #tpu.memory_space<semaphore_mem>>
      %dma_start3A = arith.constant 0 : i32
      %dma_start3A_61 = tpu.memref_slice %arg7[%add3A_28, %dma_start3A] : memref<10240x16xf32, #tpu.memory_space<vmem_shared>> -> memref<64x16xf32, #tpu.memory_space<vmem_shared>>
      %dma_start3A_62 = arith.constant 0 : i32
      %dma_start3A_63 = tpu.memref_slice %arg7[%add3A_28, %dma_start3A_62] : memref<10240x16xf32, #tpu.memory_space<vmem_shared>> -> memref<64x16xf32, #tpu.memory_space<vmem_shared>>
      tpu.enqueue_dma source(%arg11 : memref<64x16xf32, #tpu.memory_space<vmem>>) target(%dma_start3A_63 : memref<64x16xf32, #tpu.memory_space<vmem_shared>>) target_semaphore(%run_scoped3A : memref<!tpu.dma_semaphore, #tpu.memory_space<semaphore_mem>>)
      %dma_wait3A = arith.constant 0 : i32
      %dma_wait3A_64 = tpu.memref_slice %arg7[%add3A_28, %dma_wait3A] : memref<10240x16xf32, #tpu.memory_space<vmem_shared>> -> memref<64x16xf32, #tpu.memory_space<vmem_shared>>
      %dma_wait3A_65 = arith.constant 0 : i32
      %dma_wait3A_66 = tpu.memref_slice %arg7[%add3A_28, %dma_wait3A_65] : memref<10240x16xf32, #tpu.memory_space<vmem_shared>> -> memref<64x16xf32, #tpu.memory_space<vmem_shared>>
      tpu.wait_dma2 semaphore(%run_scoped3A : memref<!tpu.dma_semaphore, #tpu.memory_space<semaphore_mem>>) src(%arg11 : memref<64x16xf32, #tpu.memory_space<vmem>>) dst(%dma_wait3A_66 : memref<64x16xf32, #tpu.memory_space<vmem_shared>>)
      tpu.yield
    }) : () -> ()
    %add3A_29 = arith.constant 256 : i32
    %add3A_30 = arith.addi %mul3A_0, %add3A_29 : i32
    "tpu.region"() ({
      %run_scoped3A = tpu.sem_alloc : memref<!tpu.dma_semaphore, #tpu.memory_space<semaphore_mem>>
      %dma_start3A = arith.constant 0 : i32
      %dma_start3A_61 = tpu.memref_slice %arg6[%add3A_30, %dma_start3A] : memref<10240x16xf32, #tpu.memory_space<vmem_shared>> -> memref<64x16xf32, #tpu.memory_space<vmem_shared>>
      %dma_start3A_62 = arith.constant 0 : i32
      %dma_start3A_63 = tpu.memref_slice %arg6[%add3A_30, %dma_start3A_62] : memref<10240x16xf32, #tpu.memory_space<vmem_shared>> -> memref<64x16xf32, #tpu.memory_space<vmem_shared>>
      tpu.enqueue_dma source(%arg11 : memref<64x16xf32, #tpu.memory_space<vmem>>) target(%dma_start3A_63 : memref<64x16xf32, #tpu.memory_space<vmem_shared>>) target_semaphore(%run_scoped3A : memref<!tpu.dma_semaphore, #tpu.memory_space<semaphore_mem>>)
      %dma_wait3A = arith.constant 0 : i32
      %dma_wait3A_64 = tpu.memref_slice %arg6[%add3A_30, %dma_wait3A] : memref<10240x16xf32, #tpu.memory_space<vmem_shared>> -> memref<64x16xf32, #tpu.memory_space<vmem_shared>>
      %dma_wait3A_65 = arith.constant 0 : i32
      %dma_wait3A_66 = tpu.memref_slice %arg6[%add3A_30, %dma_wait3A_65] : memref<10240x16xf32, #tpu.memory_space<vmem_shared>> -> memref<64x16xf32, #tpu.memory_space<vmem_shared>>
      tpu.wait_dma2 semaphore(%run_scoped3A : memref<!tpu.dma_semaphore, #tpu.memory_space<semaphore_mem>>) src(%arg11 : memref<64x16xf32, #tpu.memory_space<vmem>>) dst(%dma_wait3A_66 : memref<64x16xf32, #tpu.memory_space<vmem_shared>>)
      tpu.yield
    }) : () -> ()
    %add3A_31 = arith.constant 256 : i32
    %add3A_32 = arith.addi %mul3A_0, %add3A_31 : i32
    "tpu.region"() ({
      %run_scoped3A = tpu.sem_alloc : memref<!tpu.dma_semaphore, #tpu.memory_space<semaphore_mem>>
      %dma_start3A = arith.constant 0 : i32
      %dma_start3A_61 = tpu.memref_slice %arg7[%add3A_32, %dma_start3A] : memref<10240x16xf32, #tpu.memory_space<vmem_shared>> -> memref<64x16xf32, #tpu.memory_space<vmem_shared>>
      %dma_start3A_62 = arith.constant 0 : i32
      %dma_start3A_63 = tpu.memref_slice %arg7[%add3A_32, %dma_start3A_62] : memref<10240x16xf32, #tpu.memory_space<vmem_shared>> -> memref<64x16xf32, #tpu.memory_space<vmem_shared>>
      tpu.enqueue_dma source(%arg11 : memref<64x16xf32, #tpu.memory_space<vmem>>) target(%dma_start3A_63 : memref<64x16xf32, #tpu.memory_space<vmem_shared>>) target_semaphore(%run_scoped3A : memref<!tpu.dma_semaphore, #tpu.memory_space<semaphore_mem>>)
      %dma_wait3A = arith.constant 0 : i32
      %dma_wait3A_64 = tpu.memref_slice %arg7[%add3A_32, %dma_wait3A] : memref<10240x16xf32, #tpu.memory_space<vmem_shared>> -> memref<64x16xf32, #tpu.memory_space<vmem_shared>>
      %dma_wait3A_65 = arith.constant 0 : i32
      %dma_wait3A_66 = tpu.memref_slice %arg7[%add3A_32, %dma_wait3A_65] : memref<10240x16xf32, #tpu.memory_space<vmem_shared>> -> memref<64x16xf32, #tpu.memory_space<vmem_shared>>
      tpu.wait_dma2 semaphore(%run_scoped3A : memref<!tpu.dma_semaphore, #tpu.memory_space<semaphore_mem>>) src(%arg11 : memref<64x16xf32, #tpu.memory_space<vmem>>) dst(%dma_wait3A_66 : memref<64x16xf32, #tpu.memory_space<vmem_shared>>)
      tpu.yield
    }) : () -> ()
    %add3A_33 = arith.constant 320 : i32
    %add3A_34 = arith.addi %mul3A_0, %add3A_33 : i32
    "tpu.region"() ({
      %run_scoped3A = tpu.sem_alloc : memref<!tpu.dma_semaphore, #tpu.memory_space<semaphore_mem>>
      %dma_start3A = arith.constant 0 : i32
      %dma_start3A_61 = tpu.memref_slice %arg6[%add3A_34, %dma_start3A] : memref<10240x16xf32, #tpu.memory_space<vmem_shared>> -> memref<64x16xf32, #tpu.memory_space<vmem_shared>>
      %dma_start3A_62 = arith.constant 0 : i32
      %dma_start3A_63 = tpu.memref_slice %arg6[%add3A_34, %dma_start3A_62] : memref<10240x16xf32, #tpu.memory_space<vmem_shared>> -> memref<64x16xf32, #tpu.memory_space<vmem_shared>>
      tpu.enqueue_dma source(%arg11 : memref<64x16xf32, #tpu.memory_space<vmem>>) target(%dma_start3A_63 : memref<64x16xf32, #tpu.memory_space<vmem_shared>>) target_semaphore(%run_scoped3A : memref<!tpu.dma_semaphore, #tpu.memory_space<semaphore_mem>>)
      %dma_wait3A = arith.constant 0 : i32
      %dma_wait3A_64 = tpu.memref_slice %arg6[%add3A_34, %dma_wait3A] : memref<10240x16xf32, #tpu.memory_space<vmem_shared>> -> memref<64x16xf32, #tpu.memory_space<vmem_shared>>
      %dma_wait3A_65 = arith.constant 0 : i32
      %dma_wait3A_66 = tpu.memref_slice %arg6[%add3A_34, %dma_wait3A_65] : memref<10240x16xf32, #tpu.memory_space<vmem_shared>> -> memref<64x16xf32, #tpu.memory_space<vmem_shared>>
      tpu.wait_dma2 semaphore(%run_scoped3A : memref<!tpu.dma_semaphore, #tpu.memory_space<semaphore_mem>>) src(%arg11 : memref<64x16xf32, #tpu.memory_space<vmem>>) dst(%dma_wait3A_66 : memref<64x16xf32, #tpu.memory_space<vmem_shared>>)
      tpu.yield
    }) : () -> ()
    %add3A_35 = arith.constant 320 : i32
    %add3A_36 = arith.addi %mul3A_0, %add3A_35 : i32
    "tpu.region"() ({
      %run_scoped3A = tpu.sem_alloc : memref<!tpu.dma_semaphore, #tpu.memory_space<semaphore_mem>>
      %dma_start3A = arith.constant 0 : i32
      %dma_start3A_61 = tpu.memref_slice %arg7[%add3A_36, %dma_start3A] : memref<10240x16xf32, #tpu.memory_space<vmem_shared>> -> memref<64x16xf32, #tpu.memory_space<vmem_shared>>
      %dma_start3A_62 = arith.constant 0 : i32
      %dma_start3A_63 = tpu.memref_slice %arg7[%add3A_36, %dma_start3A_62] : memref<10240x16xf32, #tpu.memory_space<vmem_shared>> -> memref<64x16xf32, #tpu.memory_space<vmem_shared>>
      tpu.enqueue_dma source(%arg11 : memref<64x16xf32, #tpu.memory_space<vmem>>) target(%dma_start3A_63 : memref<64x16xf32, #tpu.memory_space<vmem_shared>>) target_semaphore(%run_scoped3A : memref<!tpu.dma_semaphore, #tpu.memory_space<semaphore_mem>>)
      %dma_wait3A = arith.constant 0 : i32
      %dma_wait3A_64 = tpu.memref_slice %arg7[%add3A_36, %dma_wait3A] : memref<10240x16xf32, #tpu.memory_space<vmem_shared>> -> memref<64x16xf32, #tpu.memory_space<vmem_shared>>
      %dma_wait3A_65 = arith.constant 0 : i32
      %dma_wait3A_66 = tpu.memref_slice %arg7[%add3A_36, %dma_wait3A_65] : memref<10240x16xf32, #tpu.memory_space<vmem_shared>> -> memref<64x16xf32, #tpu.memory_space<vmem_shared>>
      tpu.wait_dma2 semaphore(%run_scoped3A : memref<!tpu.dma_semaphore, #tpu.memory_space<semaphore_mem>>) src(%arg11 : memref<64x16xf32, #tpu.memory_space<vmem>>) dst(%dma_wait3A_66 : memref<64x16xf32, #tpu.memory_space<vmem_shared>>)
      tpu.yield
    }) : () -> ()
    %add3A_37 = arith.constant 384 : i32
    %add3A_38 = arith.addi %mul3A_0, %add3A_37 : i32
    "tpu.region"() ({
      %run_scoped3A = tpu.sem_alloc : memref<!tpu.dma_semaphore, #tpu.memory_space<semaphore_mem>>
      %dma_start3A = arith.constant 0 : i32
      %dma_start3A_61 = tpu.memref_slice %arg6[%add3A_38, %dma_start3A] : memref<10240x16xf32, #tpu.memory_space<vmem_shared>> -> memref<64x16xf32, #tpu.memory_space<vmem_shared>>
      %dma_start3A_62 = arith.constant 0 : i32
      %dma_start3A_63 = tpu.memref_slice %arg6[%add3A_38, %dma_start3A_62] : memref<10240x16xf32, #tpu.memory_space<vmem_shared>> -> memref<64x16xf32, #tpu.memory_space<vmem_shared>>
      tpu.enqueue_dma source(%arg11 : memref<64x16xf32, #tpu.memory_space<vmem>>) target(%dma_start3A_63 : memref<64x16xf32, #tpu.memory_space<vmem_shared>>) target_semaphore(%run_scoped3A : memref<!tpu.dma_semaphore, #tpu.memory_space<semaphore_mem>>)
      %dma_wait3A = arith.constant 0 : i32
      %dma_wait3A_64 = tpu.memref_slice %arg6[%add3A_38, %dma_wait3A] : memref<10240x16xf32, #tpu.memory_space<vmem_shared>> -> memref<64x16xf32, #tpu.memory_space<vmem_shared>>
      %dma_wait3A_65 = arith.constant 0 : i32
      %dma_wait3A_66 = tpu.memref_slice %arg6[%add3A_38, %dma_wait3A_65] : memref<10240x16xf32, #tpu.memory_space<vmem_shared>> -> memref<64x16xf32, #tpu.memory_space<vmem_shared>>
      tpu.wait_dma2 semaphore(%run_scoped3A : memref<!tpu.dma_semaphore, #tpu.memory_space<semaphore_mem>>) src(%arg11 : memref<64x16xf32, #tpu.memory_space<vmem>>) dst(%dma_wait3A_66 : memref<64x16xf32, #tpu.memory_space<vmem_shared>>)
      tpu.yield
    }) : () -> ()
    %add3A_39 = arith.constant 384 : i32
    %add3A_40 = arith.addi %mul3A_0, %add3A_39 : i32
    "tpu.region"() ({
      %run_scoped3A = tpu.sem_alloc : memref<!tpu.dma_semaphore, #tpu.memory_space<semaphore_mem>>
      %dma_start3A = arith.constant 0 : i32
      %dma_start3A_61 = tpu.memref_slice %arg7[%add3A_40, %dma_start3A] : memref<10240x16xf32, #tpu.memory_space<vmem_shared>> -> memref<64x16xf32, #tpu.memory_space<vmem_shared>>
      %dma_start3A_62 = arith.constant 0 : i32
      %dma_start3A_63 = tpu.memref_slice %arg7[%add3A_40, %dma_start3A_62] : memref<10240x16xf32, #tpu.memory_space<vmem_shared>> -> memref<64x16xf32, #tpu.memory_space<vmem_shared>>
      tpu.enqueue_dma source(%arg11 : memref<64x16xf32, #tpu.memory_space<vmem>>) target(%dma_start3A_63 : memref<64x16xf32, #tpu.memory_space<vmem_shared>>) target_semaphore(%run_scoped3A : memref<!tpu.dma_semaphore, #tpu.memory_space<semaphore_mem>>)
      %dma_wait3A = arith.constant 0 : i32
      %dma_wait3A_64 = tpu.memref_slice %arg7[%add3A_40, %dma_wait3A] : memref<10240x16xf32, #tpu.memory_space<vmem_shared>> -> memref<64x16xf32, #tpu.memory_space<vmem_shared>>
      %dma_wait3A_65 = arith.constant 0 : i32
      %dma_wait3A_66 = tpu.memref_slice %arg7[%add3A_40, %dma_wait3A_65] : memref<10240x16xf32, #tpu.memory_space<vmem_shared>> -> memref<64x16xf32, #tpu.memory_space<vmem_shared>>
      tpu.wait_dma2 semaphore(%run_scoped3A : memref<!tpu.dma_semaphore, #tpu.memory_space<semaphore_mem>>) src(%arg11 : memref<64x16xf32, #tpu.memory_space<vmem>>) dst(%dma_wait3A_66 : memref<64x16xf32, #tpu.memory_space<vmem_shared>>)
      tpu.yield
    }) : () -> ()
    %add3A_41 = arith.constant 448 : i32
    %add3A_42 = arith.addi %mul3A_0, %add3A_41 : i32
    "tpu.region"() ({
      %run_scoped3A = tpu.sem_alloc : memref<!tpu.dma_semaphore, #tpu.memory_space<semaphore_mem>>
      %dma_start3A = arith.constant 0 : i32
      %dma_start3A_61 = tpu.memref_slice %arg6[%add3A_42, %dma_start3A] : memref<10240x16xf32, #tpu.memory_space<vmem_shared>> -> memref<64x16xf32, #tpu.memory_space<vmem_shared>>
      %dma_start3A_62 = arith.constant 0 : i32
      %dma_start3A_63 = tpu.memref_slice %arg6[%add3A_42, %dma_start3A_62] : memref<10240x16xf32, #tpu.memory_space<vmem_shared>> -> memref<64x16xf32, #tpu.memory_space<vmem_shared>>
      tpu.enqueue_dma source(%arg11 : memref<64x16xf32, #tpu.memory_space<vmem>>) target(%dma_start3A_63 : memref<64x16xf32, #tpu.memory_space<vmem_shared>>) target_semaphore(%run_scoped3A : memref<!tpu.dma_semaphore, #tpu.memory_space<semaphore_mem>>)
      %dma_wait3A = arith.constant 0 : i32
      %dma_wait3A_64 = tpu.memref_slice %arg6[%add3A_42, %dma_wait3A] : memref<10240x16xf32, #tpu.memory_space<vmem_shared>> -> memref<64x16xf32, #tpu.memory_space<vmem_shared>>
      %dma_wait3A_65 = arith.constant 0 : i32
      %dma_wait3A_66 = tpu.memref_slice %arg6[%add3A_42, %dma_wait3A_65] : memref<10240x16xf32, #tpu.memory_space<vmem_shared>> -> memref<64x16xf32, #tpu.memory_space<vmem_shared>>
      tpu.wait_dma2 semaphore(%run_scoped3A : memref<!tpu.dma_semaphore, #tpu.memory_space<semaphore_mem>>) src(%arg11 : memref<64x16xf32, #tpu.memory_space<vmem>>) dst(%dma_wait3A_66 : memref<64x16xf32, #tpu.memory_space<vmem_shared>>)
      tpu.yield
    }) : () -> ()
    %add3A_43 = arith.constant 448 : i32
    %add3A_44 = arith.addi %mul3A_0, %add3A_43 : i32
    "tpu.region"() ({
      %run_scoped3A = tpu.sem_alloc : memref<!tpu.dma_semaphore, #tpu.memory_space<semaphore_mem>>
      %dma_start3A = arith.constant 0 : i32
      %dma_start3A_61 = tpu.memref_slice %arg7[%add3A_44, %dma_start3A] : memref<10240x16xf32, #tpu.memory_space<vmem_shared>> -> memref<64x16xf32, #tpu.memory_space<vmem_shared>>
      %dma_start3A_62 = arith.constant 0 : i32
      %dma_start3A_63 = tpu.memref_slice %arg7[%add3A_44, %dma_start3A_62] : memref<10240x16xf32, #tpu.memory_space<vmem_shared>> -> memref<64x16xf32, #tpu.memory_space<vmem_shared>>
      tpu.enqueue_dma source(%arg11 : memref<64x16xf32, #tpu.memory_space<vmem>>) target(%dma_start3A_63 : memref<64x16xf32, #tpu.memory_space<vmem_shared>>) target_semaphore(%run_scoped3A : memref<!tpu.dma_semaphore, #tpu.memory_space<semaphore_mem>>)
      %dma_wait3A = arith.constant 0 : i32
      %dma_wait3A_64 = tpu.memref_slice %arg7[%add3A_44, %dma_wait3A] : memref<10240x16xf32, #tpu.memory_space<vmem_shared>> -> memref<64x16xf32, #tpu.memory_space<vmem_shared>>
      %dma_wait3A_65 = arith.constant 0 : i32
      %dma_wait3A_66 = tpu.memref_slice %arg7[%add3A_44, %dma_wait3A_65] : memref<10240x16xf32, #tpu.memory_space<vmem_shared>> -> memref<64x16xf32, #tpu.memory_space<vmem_shared>>
      tpu.wait_dma2 semaphore(%run_scoped3A : memref<!tpu.dma_semaphore, #tpu.memory_space<semaphore_mem>>) src(%arg11 : memref<64x16xf32, #tpu.memory_space<vmem>>) dst(%dma_wait3A_66 : memref<64x16xf32, #tpu.memory_space<vmem_shared>>)
      tpu.yield
    }) : () -> ()
    %add3A_45 = arith.constant 512 : i32
    %add3A_46 = arith.addi %mul3A_0, %add3A_45 : i32
    "tpu.region"() ({
      %run_scoped3A = tpu.sem_alloc : memref<!tpu.dma_semaphore, #tpu.memory_space<semaphore_mem>>
      %dma_start3A = arith.constant 0 : i32
      %dma_start3A_61 = tpu.memref_slice %arg6[%add3A_46, %dma_start3A] : memref<10240x16xf32, #tpu.memory_space<vmem_shared>> -> memref<64x16xf32, #tpu.memory_space<vmem_shared>>
      %dma_start3A_62 = arith.constant 0 : i32
      %dma_start3A_63 = tpu.memref_slice %arg6[%add3A_46, %dma_start3A_62] : memref<10240x16xf32, #tpu.memory_space<vmem_shared>> -> memref<64x16xf32, #tpu.memory_space<vmem_shared>>
      tpu.enqueue_dma source(%arg11 : memref<64x16xf32, #tpu.memory_space<vmem>>) target(%dma_start3A_63 : memref<64x16xf32, #tpu.memory_space<vmem_shared>>) target_semaphore(%run_scoped3A : memref<!tpu.dma_semaphore, #tpu.memory_space<semaphore_mem>>)
      %dma_wait3A = arith.constant 0 : i32
      %dma_wait3A_64 = tpu.memref_slice %arg6[%add3A_46, %dma_wait3A] : memref<10240x16xf32, #tpu.memory_space<vmem_shared>> -> memref<64x16xf32, #tpu.memory_space<vmem_shared>>
      %dma_wait3A_65 = arith.constant 0 : i32
      %dma_wait3A_66 = tpu.memref_slice %arg6[%add3A_46, %dma_wait3A_65] : memref<10240x16xf32, #tpu.memory_space<vmem_shared>> -> memref<64x16xf32, #tpu.memory_space<vmem_shared>>
      tpu.wait_dma2 semaphore(%run_scoped3A : memref<!tpu.dma_semaphore, #tpu.memory_space<semaphore_mem>>) src(%arg11 : memref<64x16xf32, #tpu.memory_space<vmem>>) dst(%dma_wait3A_66 : memref<64x16xf32, #tpu.memory_space<vmem_shared>>)
      tpu.yield
    }) : () -> ()
    %add3A_47 = arith.constant 512 : i32
    %add3A_48 = arith.addi %mul3A_0, %add3A_47 : i32
    "tpu.region"() ({
      %run_scoped3A = tpu.sem_alloc : memref<!tpu.dma_semaphore, #tpu.memory_space<semaphore_mem>>
      %dma_start3A = arith.constant 0 : i32
      %dma_start3A_61 = tpu.memref_slice %arg7[%add3A_48, %dma_start3A] : memref<10240x16xf32, #tpu.memory_space<vmem_shared>> -> memref<64x16xf32, #tpu.memory_space<vmem_shared>>
      %dma_start3A_62 = arith.constant 0 : i32
      %dma_start3A_63 = tpu.memref_slice %arg7[%add3A_48, %dma_start3A_62] : memref<10240x16xf32, #tpu.memory_space<vmem_shared>> -> memref<64x16xf32, #tpu.memory_space<vmem_shared>>
      tpu.enqueue_dma source(%arg11 : memref<64x16xf32, #tpu.memory_space<vmem>>) target(%dma_start3A_63 : memref<64x16xf32, #tpu.memory_space<vmem_shared>>) target_semaphore(%run_scoped3A : memref<!tpu.dma_semaphore, #tpu.memory_space<semaphore_mem>>)
      %dma_wait3A = arith.constant 0 : i32
      %dma_wait3A_64 = tpu.memref_slice %arg7[%add3A_48, %dma_wait3A] : memref<10240x16xf32, #tpu.memory_space<vmem_shared>> -> memref<64x16xf32, #tpu.memory_space<vmem_shared>>
      %dma_wait3A_65 = arith.constant 0 : i32
      %dma_wait3A_66 = tpu.memref_slice %arg7[%add3A_48, %dma_wait3A_65] : memref<10240x16xf32, #tpu.memory_space<vmem_shared>> -> memref<64x16xf32, #tpu.memory_space<vmem_shared>>
      tpu.wait_dma2 semaphore(%run_scoped3A : memref<!tpu.dma_semaphore, #tpu.memory_space<semaphore_mem>>) src(%arg11 : memref<64x16xf32, #tpu.memory_space<vmem>>) dst(%dma_wait3A_66 : memref<64x16xf32, #tpu.memory_space<vmem_shared>>)
      tpu.yield
    }) : () -> ()
    %add3A_49 = arith.constant 576 : i32
    %add3A_50 = arith.addi %mul3A_0, %add3A_49 : i32
    "tpu.region"() ({
      %run_scoped3A = tpu.sem_alloc : memref<!tpu.dma_semaphore, #tpu.memory_space<semaphore_mem>>
      %dma_start3A = arith.constant 0 : i32
      %dma_start3A_61 = tpu.memref_slice %arg6[%add3A_50, %dma_start3A] : memref<10240x16xf32, #tpu.memory_space<vmem_shared>> -> memref<64x16xf32, #tpu.memory_space<vmem_shared>>
      %dma_start3A_62 = arith.constant 0 : i32
      %dma_start3A_63 = tpu.memref_slice %arg6[%add3A_50, %dma_start3A_62] : memref<10240x16xf32, #tpu.memory_space<vmem_shared>> -> memref<64x16xf32, #tpu.memory_space<vmem_shared>>
      tpu.enqueue_dma source(%arg11 : memref<64x16xf32, #tpu.memory_space<vmem>>) target(%dma_start3A_63 : memref<64x16xf32, #tpu.memory_space<vmem_shared>>) target_semaphore(%run_scoped3A : memref<!tpu.dma_semaphore, #tpu.memory_space<semaphore_mem>>)
      %dma_wait3A = arith.constant 0 : i32
      %dma_wait3A_64 = tpu.memref_slice %arg6[%add3A_50, %dma_wait3A] : memref<10240x16xf32, #tpu.memory_space<vmem_shared>> -> memref<64x16xf32, #tpu.memory_space<vmem_shared>>
      %dma_wait3A_65 = arith.constant 0 : i32
      %dma_wait3A_66 = tpu.memref_slice %arg6[%add3A_50, %dma_wait3A_65] : memref<10240x16xf32, #tpu.memory_space<vmem_shared>> -> memref<64x16xf32, #tpu.memory_space<vmem_shared>>
      tpu.wait_dma2 semaphore(%run_scoped3A : memref<!tpu.dma_semaphore, #tpu.memory_space<semaphore_mem>>) src(%arg11 : memref<64x16xf32, #tpu.memory_space<vmem>>) dst(%dma_wait3A_66 : memref<64x16xf32, #tpu.memory_space<vmem_shared>>)
      tpu.yield
    }) : () -> ()
    %add3A_51 = arith.constant 576 : i32
    %add3A_52 = arith.addi %mul3A_0, %add3A_51 : i32
    "tpu.region"() ({
      %run_scoped3A = tpu.sem_alloc : memref<!tpu.dma_semaphore, #tpu.memory_space<semaphore_mem>>
      %dma_start3A = arith.constant 0 : i32
      %dma_start3A_61 = tpu.memref_slice %arg7[%add3A_52, %dma_start3A] : memref<10240x16xf32, #tpu.memory_space<vmem_shared>> -> memref<64x16xf32, #tpu.memory_space<vmem_shared>>
      %dma_start3A_62 = arith.constant 0 : i32
      %dma_start3A_63 = tpu.memref_slice %arg7[%add3A_52, %dma_start3A_62] : memref<10240x16xf32, #tpu.memory_space<vmem_shared>> -> memref<64x16xf32, #tpu.memory_space<vmem_shared>>
      tpu.enqueue_dma source(%arg11 : memref<64x16xf32, #tpu.memory_space<vmem>>) target(%dma_start3A_63 : memref<64x16xf32, #tpu.memory_space<vmem_shared>>) target_semaphore(%run_scoped3A : memref<!tpu.dma_semaphore, #tpu.memory_space<semaphore_mem>>)
      %dma_wait3A = arith.constant 0 : i32
      %dma_wait3A_64 = tpu.memref_slice %arg7[%add3A_52, %dma_wait3A] : memref<10240x16xf32, #tpu.memory_space<vmem_shared>> -> memref<64x16xf32, #tpu.memory_space<vmem_shared>>
      %dma_wait3A_65 = arith.constant 0 : i32
      %dma_wait3A_66 = tpu.memref_slice %arg7[%add3A_52, %dma_wait3A_65] : memref<10240x16xf32, #tpu.memory_space<vmem_shared>> -> memref<64x16xf32, #tpu.memory_space<vmem_shared>>
      tpu.wait_dma2 semaphore(%run_scoped3A : memref<!tpu.dma_semaphore, #tpu.memory_space<semaphore_mem>>) src(%arg11 : memref<64x16xf32, #tpu.memory_space<vmem>>) dst(%dma_wait3A_66 : memref<64x16xf32, #tpu.memory_space<vmem_shared>>)
      tpu.yield
    }) : () -> ()
    %barrier3A = arith.constant 0 : index
    tpu.barrier barrier_id(%barrier3A)
    %scan3A_53 = arith.constant 0 : i32
    %scan3A_54 = arith.constant 0 : i32
    %scan3A_55 = arith.constant 158 : i32
    %scan3A_56 = arith.addi %scan3A_54, %scan3A_55 : i32
    %scan3A_57 = arith.constant 1 : i32
    %scan3A_58 = scf.for %scan3A_61 = %scan3A_54 to %scan3A_56 step %scan3A_57 iter_args(%scan3A_62 = %scan3A_53) -> (i32)  : i32 {
      "tpu.region"() ({
        %run_scoped3A = tpu.sem_alloc : memref<!tpu.dma_semaphore, #tpu.memory_space<semaphore_mem>>
        %dma_start3A = arith.constant 0 : i32
        %dma_start3A_64 = tpu.memref_slice %arg8[%scan3A_61, %dma_start3A] : memref<158x128xi32, #tpu.memory_space<vmem>> -> memref<1x128xi32, #tpu.memory_space<vmem>>
        %dma_start3A_65 = tpu.memref_squeeze %dma_start3A_64 : memref<1x128xi32, #tpu.memory_space<vmem>> -> memref<128xi32, #tpu.memory_space<vmem>>
        %dma_start3A_66 = arith.constant 0 : i32
        %dma_start3A_67 = arith.constant 0 : i32
        %dma_start3A_68 = tpu.memref_slice %arg6[%dma_start3A_66, %dma_start3A_67] : memref<10240x16xf32, #tpu.memory_space<vmem_shared>> -> memref<10240x16xf32, #tpu.memory_space<vmem_shared>>
        tpu.enqueue_indirect_dma source(%arg10 : memref<128x16xf32, #tpu.memory_space<vmem>>) target(%dma_start3A_68 : memref<10240x16xf32, #tpu.memory_space<vmem_shared>>) offsets(%dma_start3A_65 : memref<128xi32, #tpu.memory_space<vmem>>) semaphore(%run_scoped3A : memref<!tpu.dma_semaphore, #tpu.memory_space<semaphore_mem>>) {add = true}
        %dma_wait3A = arith.constant 0 : i32
        %dma_wait3A_69 = tpu.memref_slice %arg8[%scan3A_61, %dma_wait3A] : memref<158x128xi32, #tpu.memory_space<vmem>> -> memref<1x128xi32, #tpu.memory_space<vmem>>
        %dma_wait3A_70 = tpu.memref_squeeze %dma_wait3A_69 : memref<1x128xi32, #tpu.memory_space<vmem>> -> memref<128xi32, #tpu.memory_space<vmem>>
        %dma_wait3A_71 = arith.constant 0 : i32
        %dma_wait3A_72 = arith.constant 0 : i32
        %dma_wait3A_73 = tpu.memref_slice %arg6[%dma_wait3A_71, %dma_wait3A_72] : memref<10240x16xf32, #tpu.memory_space<vmem_shared>> -> memref<10240x16xf32, #tpu.memory_space<vmem_shared>>
        tpu.wait_indirect_dma semaphore(%run_scoped3A : memref<!tpu.dma_semaphore, #tpu.memory_space<semaphore_mem>>) src(%arg10 : memref<128x16xf32, #tpu.memory_space<vmem>>) dst(%dma_wait3A_73 : memref<10240x16xf32, #tpu.memory_space<vmem_shared>>)
        tpu.yield
      }) : () -> ()
      "tpu.region"() ({
        %run_scoped3A = tpu.sem_alloc : memref<!tpu.dma_semaphore, #tpu.memory_space<semaphore_mem>>
        %dma_start3A = arith.constant 0 : i32
        %dma_start3A_64 = tpu.memref_slice %arg9[%scan3A_61, %dma_start3A] : memref<158x128xi32, #tpu.memory_space<vmem>> -> memref<1x128xi32, #tpu.memory_space<vmem>>
        %dma_start3A_65 = tpu.memref_squeeze %dma_start3A_64 : memref<1x128xi32, #tpu.memory_space<vmem>> -> memref<128xi32, #tpu.memory_space<vmem>>
        %dma_start3A_66 = arith.constant 0 : i32
        %dma_start3A_67 = arith.constant 0 : i32
        %dma_start3A_68 = tpu.memref_slice %arg7[%dma_start3A_66, %dma_start3A_67] : memref<10240x16xf32, #tpu.memory_space<vmem_shared>> -> memref<10240x16xf32, #tpu.memory_space<vmem_shared>>
        tpu.enqueue_indirect_dma source(%arg10 : memref<128x16xf32, #tpu.memory_space<vmem>>) target(%dma_start3A_68 : memref<10240x16xf32, #tpu.memory_space<vmem_shared>>) offsets(%dma_start3A_65 : memref<128xi32, #tpu.memory_space<vmem>>) semaphore(%run_scoped3A : memref<!tpu.dma_semaphore, #tpu.memory_space<semaphore_mem>>) {add = true}
        %dma_wait3A = arith.constant 0 : i32
        %dma_wait3A_69 = tpu.memref_slice %arg9[%scan3A_61, %dma_wait3A] : memref<158x128xi32, #tpu.memory_space<vmem>> -> memref<1x128xi32, #tpu.memory_space<vmem>>
        %dma_wait3A_70 = tpu.memref_squeeze %dma_wait3A_69 : memref<1x128xi32, #tpu.memory_space<vmem>> -> memref<128xi32, #tpu.memory_space<vmem>>
        %dma_wait3A_71 = arith.constant 0 : i32
        %dma_wait3A_72 = arith.constant 0 : i32
        %dma_wait3A_73 = tpu.memref_slice %arg7[%dma_wait3A_71, %dma_wait3A_72] : memref<10240x16xf32, #tpu.memory_space<vmem_shared>> -> memref<10240x16xf32, #tpu.memory_space<vmem_shared>>
        tpu.wait_indirect_dma semaphore(%run_scoped3A : memref<!tpu.dma_semaphore, #tpu.memory_space<semaphore_mem>>) src(%arg10 : memref<128x16xf32, #tpu.memory_space<vmem>>) dst(%dma_wait3A_73 : memref<10240x16xf32, #tpu.memory_space<vmem_shared>>)
        tpu.yield
      }) : () -> ()
      %scan3A_63 = arith.constant 0 : i32
      scf.yield %scan3A_63 : i32
    }
    %scan3A_59 = arith.constant 158 : i32
    %barrier3A_60 = arith.constant 0 : index
    tpu.barrier barrier_id(%barrier3A_60)
    "tpu.region"() ({
      %run_scoped3A = tpu.sem_alloc : memref<!tpu.dma_semaphore, #tpu.memory_space<semaphore_mem>>
      %dma_start3A = arith.constant 0 : i32
      %dma_start3A_61 = tpu.memref_slice %arg4[%mul3A_0, %dma_start3A] : memref<10240x16xf32, #tpu.memory_space<hbm>> -> memref<640x16xf32, #tpu.memory_space<hbm>>
      %dma_start3A_62 = arith.constant 0 : i32
      %dma_start3A_63 = tpu.memref_slice %arg6[%mul3A_0, %dma_start3A_62] : memref<10240x16xf32, #tpu.memory_space<vmem_shared>> -> memref<640x16xf32, #tpu.memory_space<vmem_shared>>
      tpu.enqueue_dma source(%dma_start3A_63 : memref<640x16xf32, #tpu.memory_space<vmem_shared>>) target(%dma_start3A_61 : memref<640x16xf32, #tpu.memory_space<hbm>>) target_semaphore(%run_scoped3A : memref<!tpu.dma_semaphore, #tpu.memory_space<semaphore_mem>>)
      %dma_wait3A = arith.constant 0 : i32
      %dma_wait3A_64 = tpu.memref_slice %arg4[%mul3A_0, %dma_wait3A] : memref<10240x16xf32, #tpu.memory_space<hbm>> -> memref<640x16xf32, #tpu.memory_space<hbm>>
      %dma_wait3A_65 = arith.constant 0 : i32
      %dma_wait3A_66 = tpu.memref_slice %arg6[%mul3A_0, %dma_wait3A_65] : memref<10240x16xf32, #tpu.memory_space<vmem_shared>> -> memref<640x16xf32, #tpu.memory_space<vmem_shared>>
      tpu.wait_dma2 semaphore(%run_scoped3A : memref<!tpu.dma_semaphore, #tpu.memory_space<semaphore_mem>>) src(%dma_wait3A_66 : memref<640x16xf32, #tpu.memory_space<vmem_shared>>) dst(%dma_wait3A_64 : memref<640x16xf32, #tpu.memory_space<hbm>>)
      tpu.yield
    }) : () -> ()
    "tpu.region"() ({
      %run_scoped3A = tpu.sem_alloc : memref<!tpu.dma_semaphore, #tpu.memory_space<semaphore_mem>>
      %dma_start3A = arith.constant 0 : i32
      %dma_start3A_61 = tpu.memref_slice %arg5[%mul3A_0, %dma_start3A] : memref<10240x16xf32, #tpu.memory_space<hbm>> -> memref<640x16xf32, #tpu.memory_space<hbm>>
      %dma_start3A_62 = arith.constant 0 : i32
      %dma_start3A_63 = tpu.memref_slice %arg7[%mul3A_0, %dma_start3A_62] : memref<10240x16xf32, #tpu.memory_space<vmem_shared>> -> memref<640x16xf32, #tpu.memory_space<vmem_shared>>
      tpu.enqueue_dma source(%dma_start3A_63 : memref<640x16xf32, #tpu.memory_space<vmem_shared>>) target(%dma_start3A_61 : memref<640x16xf32, #tpu.memory_space<hbm>>) target_semaphore(%run_scoped3A : memref<!tpu.dma_semaphore, #tpu.memory_space<semaphore_mem>>)
      %dma_wait3A = arith.constant 0 : i32
      %dma_wait3A_64 = tpu.memref_slice %arg5[%mul3A_0, %dma_wait3A] : memref<10240x16xf32, #tpu.memory_space<hbm>> -> memref<640x16xf32, #tpu.memory_space<hbm>>
      %dma_wait3A_65 = arith.constant 0 : i32
      %dma_wait3A_66 = tpu.memref_slice %arg7[%mul3A_0, %dma_wait3A_65] : memref<10240x16xf32, #tpu.memory_space<vmem_shared>> -> memref<640x16xf32, #tpu.memory_space<vmem_shared>>
      tpu.wait_dma2 semaphore(%run_scoped3A : memref<!tpu.dma_semaphore, #tpu.memory_space<semaphore_mem>>) src(%dma_wait3A_66 : memref<640x16xf32, #tpu.memory_space<vmem_shared>>) dst(%dma_wait3A_64 : memref<640x16xf32, #tpu.memory_space<hbm>>)
      tpu.yield
    }) : () -> ()
    return
  }
}

</mosaic_0001>

<sc_bundles>
// kernel: _deg.3.cloned.1.call-start
scs
__scs_entry_jumppad:
0x0: {  	(pc) =	sbr.rel $0x88, $3  }
0x1: {  	(tag) =	ssettag $0x0;
	lr =	simm.s32 $0x1  }
0x2: {  	[smem:$0x3F9F] =	sst lr;
	_ =	strace $0xD0000000  }
0x3: {  	_ = 	snop  }
0x4: {  	_ = 	snop  }
0x5: {  	_ = 	snop  }
0x6: {  	_ = 	snop  }
0x7: {  	_ = 	snop  }
__scs_overlays_trampoline_lowered:
0x8: {  	[smem:$0x3FAE] =	sst s0  }
0x9: {  	[smem:$0x3FAF] =	sst s1  }
0xa: {  	[smem:$0x3FB0] =	sst s2  }
0xb: {  	[smem:$0x3FB1] =	sst s3  }
0xc: {  	[smem:$0x3FB2] =	sst s4  }
0xd: {  	[smem:$0x3FB3] =	sst s5  }
0xe: {  	[smem:$0x3FB4] =	sst s6  }
0xf: {  	[smem:$0x3FB5] =	sst s7  }
0x10: {  	[smem:$0x3FB6] =	sst s8  }
0x11: {  	[smem:$0x3FB7] =	sst s9;
	s0 =	simm.s32 @!p0 $0x0  }
0x12: {  	s1 =	sld [smem:$0x3F9D];
	s0 =	simm.s32 @p0 $0x1  }
0x13: {  	[smem:$0x3FB8] =	sst s0;
	s0 =	simm.s32 @!p1 $0x0  }
0x14: {  	s2 =	sld [smem:$0x3F9C];
	s0 =	simm.s32 @p1 $0x1  }
0x15: {  	[smem:$0x3FB9] =	sst s0;
	s0 =	simm.s32 @!p2 $0x0  }
0x16: {  	s3 =	sld [smem:$0x3FDB];
	s0 =	simm.s32 @p2 $0x1  }
0x17: {  	s4 =	simm.s32 $0x1BF5;
	[smem:$0x3FBB] =	sst s0  }
0x18: {  	s0 =	sld [smem:$0x3F9E];
	_ =	swait.ge [sflag:s4], $0x0  }
0x19: {  	s7 =	sld [smem:$0x3F9F]  }
0x1a: {  	s8 =	sadd.s32 $0xFFFFE003, lr  }
0x1b: {  	s9 =	sadd.s32 $0xFFFFFEF7, lr;
	s5 =	simm.s32 $0xFFFFFFFF;
	p2 =	slt.u32 s8, $0xFFFFF086  }
0x1c: {  	p1 =	slt.u32 s9, $0xF7A;
	s5 =	simm.s32 @!p2 $0x0  }
0x1d: {  	s5 =	simm.s32 @p1 $0x1;
	p0 =	seq.s32 s7, s2  }
0x1e: {  	s7 =	smul.u32 @!p0 $0xF7A, s2;
	p2 =	seq.s32 @!p0 s5, $0x0  }
0x1f: {  	s9 =	smul.u32 $0xF7A, s1;
	s8 =	simm.s32 @!p0 $0x1BF5;
	p2 =	por !p2, p0  }
0x20: {  	[sflag:s8] =	ssyncset.s32 @!p0 $0xFFFFF086;
	s6 =	sadd.s32 @!p0 s3, s7;
	s7 =	simm.s32 @!p0 $0x108  }
0x21: {  	s3 =	sadd.s32 s3, s9;
	s6 =	sadd.s32 @!p0 $0x88, s6;
	s7 =	simm.s32 @p2 $0x1082  }
0x22: {  	[simem:s7], [sflag:s8] =	dma.local @!p0 [hbm:s6], $0xF7A  }
0x23: {  	s9 =	sor.u32 $0xD0000000, s2;
	s6 =	simm.s32 $0x108;
	_ =	swait.ge @!p0 [sflag:s8], $0x0  }
0x24: {  	s3 =	sadd.s32 $0x88, s3;
	s6 =	simm.s32 @!p1 $0x1082;
	[sflag:s4] =	ssyncset.s32 $0xFFFFF086  }
0x25: {  	[simem:s6], [sflag:s4] =	dma.local [hbm:s3], $0xF7A  }
0x26: {  	[smem:$0x3F9F] =	sst s1;
	(tag) =	ssettag s2;
	_ =	strace s9  }
0x27: {  	s1 =	sld [smem:$0x3FAF]  }
0x28: {  	s2 =	sld [smem:$0x3FB0]  }
0x29: {  	s4 =	sld [smem:$0x3FB2]  }
0x2a: {  	p0 =	seq.s32 s5, $0x0;
	s5 =	sld [smem:$0x3FB3]  }
0x2b: {  	s6 =	sld [smem:$0x3FB4]  }
0x2c: {  	s7 =	sld [smem:$0x3FB5]  }
0x2d: {  	s3 =	simm.s32 $0x108;
	s8 =	sld [smem:$0x3FB6]  }
0x2e: {  	s3 =	simm.s32 @!p0 $0x1082;
	s9 =	sld [smem:$0x3FB7]  }
0x2f: {  	lr =	sadd.s32 s0, s3;
	s0 =	sld [smem:$0x3FAE]  }
0x30: {  	s3 =	sld [smem:$0x3FB1]  }
0x31: {  	[smem:$0x3FBA] =	sst s10  }
0x32: {  	s10 =	sld [smem:$0x3FB8];
	_ =	sdelay $0x3  }
0x33: {  	p0 =	seq.s32 s10, $0x1;
	s10 =	sld [smem:$0x3FBA];
	_ =	sdelay $0x3  }
0x34: {  	[smem:$0x3FBA] =	sst s10  }
0x35: {  	s10 =	sld [smem:$0x3FB9];
	_ =	sdelay $0x3  }
0x36: {  	p1 =	seq.s32 s10, $0x1;
	s10 =	sld [smem:$0x3FBA];
	_ =	sdelay $0x3  }
0x37: {  	[smem:$0x3FBA] =	sst s10  }
0x38: {  	s10 =	sld [smem:$0x3FBB]  }
0x39: {  	_ = 	snop;
	(pc) =	sbr.ind lr, $3  }
0x3a: {  	_ = 	snop  }
0x3b: {  	_ = 	snop  }
0x3c: {  	p2 =	seq.s32 s10, $0x1;
	s10 =	sld [smem:$0x3FBA]  }
0x3d: {  	_ =	shalt  }
0x3e: {  	_ =	shalt  }
0x3f: {  	_ =	shalt  }
0x40: {  	_ =	shalt  }
0x41: {  	_ =	shalt  }
0x42: {  	_ =	shalt  }
0x43: {  	_ =	shalt  }
0x44: {  	_ =	shalt  }
0x45: {  	_ =	shalt  }
0x46: {  	_ =	shalt  }
0x47: {  	_ =	shalt  }
0x48: {  	_ =	shalt  }
0x49: {  	_ =	shalt  }
0x4a: {  	_ =	shalt  }
0x4b: {  	_ =	shalt  }
0x4c: {  	_ =	shalt  }
0x4d: {  	_ =	shalt  }
0x4e: {  	_ =	shalt  }
0x4f: {  	_ =	shalt  }
0x50: {  	_ =	shalt  }
0x51: {  	_ =	shalt  }
0x52: {  	_ =	shalt  }
0x53: {  	_ =	shalt  }
0x54: {  	_ =	shalt  }
0x55: {  	_ =	shalt  }
0x56: {  	_ =	shalt  }
0x57: {  	_ =	shalt  }
0x58: {  	_ =	shalt  }
0x59: {  	_ =	shalt  }
0x5a: {  	_ =	shalt  }
0x5b: {  	_ =	shalt  }
0x5c: {  	_ =	shalt  }
0x5d: {  	_ =	shalt  }
0x5e: {  	_ =	shalt  }
0x5f: {  	_ =	shalt  }
0x60: {  	_ =	shalt  }
0x61: {  	_ =	shalt  }
0x62: {  	_ =	shalt  }
0x63: {  	_ =	shalt  }
0x64: {  	_ =	shalt  }
0x65: {  	_ =	shalt  }
0x66: {  	_ =	shalt  }
0x67: {  	_ =	shalt  }
0x68: {  	_ =	shalt  }
0x69: {  	_ =	shalt  }
0x6a: {  	_ =	shalt  }
0x6b: {  	_ =	shalt  }
0x6c: {  	_ =	shalt  }
0x6d: {  	_ =	shalt  }
0x6e: {  	_ =	shalt  }
0x6f: {  	_ =	shalt  }
0x70: {  	_ =	shalt  }
0x71: {  	_ =	shalt  }
0x72: {  	_ =	shalt  }
0x73: {  	_ =	shalt  }
0x74: {  	_ =	shalt  }
0x75: {  	_ =	shalt  }
0x76: {  	_ =	shalt  }
0x77: {  	_ =	shalt  }
0x78: {  	_ =	shalt  }
0x79: {  	_ =	shalt  }
0x7a: {  	_ =	shalt  }
0x7b: {  	_ =	shalt  }
0x7c: {  	_ =	shalt  }
0x7d: {  	_ =	shalt  }
0x7e: {  	_ =	shalt  }
0x7f: {  	_ =	shalt  }
0x80: {  	_ =	shalt  }
0x81: {  	_ =	shalt  }
0x82: {  	_ =	shalt  }
0x83: {  	_ =	shalt  }
0x84: {  	_ =	shalt  }
0x85: {  	_ =	shalt  }
0x86: {  	_ =	shalt  }
0x87: {  	_ =	shalt  }
.Lfunc_end0:
.L_simem_size_0:
called_computation_lowered:
.L_overlay_start_0:
0x88: {  	s0 =	sld [smem:$0x3FD9]  }
0x89: {  	s1 =	sld [smem:$0x3FFE];
	_ =	sdelay $0x3  }
0x8a: {  	s0 =	sadd.s32 s1, s0  }
0x8b: {  	[smem:$0x3FC6] =	sst s0  }
0x8c: {  	_ = 	snop  }
0x8d: {  	s0 =	sld [smem:$0x3FD0];
	_ =	sdelay $0x2  }
0x8e: {  	s13 =	simm.s32 $0xA;
	s2 =	simm.s32 $0x10  }
0x8f: {  	[smem:s2], [sflag:s13] =	dma.local [hbm:s0], $0x1  }
0x90: {  	_ =	swait.eq [sflag:s13], $0x1  }
0x91: {  	[sflag:s13] =	ssyncset.done $0x0  }
0x92: {  	s14 =	sld [smem:$0x10];
	[sflag:s13] =	ssyncadd.s32 $0xFFFFFFFF  }
0x93: {  	s15 =	sld [smem:$0x11];
	(tm) =	ssettm $0x1  }
0x94: {  	s16 =	sld [smem:$0x3FFB];
	_ =	sdelay $0x3  }
0x95: {  	_ =	strace s16  }
0x96: {  	s2 =	sld [smem:$0x3FFC];
	_ =	sdelay $0x3  }
0x97: {  	_ =	strace s2  }
0x98: {  	s2 =	sld [smem:$0x3FFD];
	_ =	sdelay $0x3  }
0x99: {  	_ =	strace s2  }
0x9a: {  	_ =	strace $0x8FFFFFFF  }
0x9b: {  	s17 =	sld [smem:$0x3FDB];
	_ =	sdelay $0x1  }
0x9c: {  	s3 =	simm.s32 $_scs_section_size  }
0x9d: {  	s4 =	simm.s32 $_size__tile_overlayer_lowered;
	s5 =	simm.s32 $_tile_overlayer_lowered  }
0x9e: {  	s20 =	simm.s32 $0x1BFF;
	s19 =	sshll.u32 s5, $0x1;
	s2 =	sadd.s32 s3, s17  }
0x9f: {  	s6 =	simm.s32 $0x0;
	s18 =	sshll.u32 s4, $0x1;
	s4 =	sadd.s32 s19, s2  }
0xa0: {  	[timem:s6], [sflag:s20] =	dma.local [hbm:s4], s18  }
0xa1: {  	_ =	swait.ge [sflag:s20], s18  }
0xa2: {  	s3 =	ssub.s32 $0x0, s18;
	[sflag:s20] =	ssyncset.done $0x0  }
0xa3: {  	[sflag:s20] =	ssyncadd.s32 s3;
	_ =	sdelay $0x1  }
0xa4: {  	s21 =	simm.s32 $0x1B8B  }
0xa5: {  	_ =	swait.ge [sflag:s21], $0x1  }
0xa6: {  	[sflag:s21] =	ssyncset.done $0x0  }
0xa7: {  	s23 =	simm.s32 $0x1B8E;
	s22 =	sld [smem:$0x3FFE];
	[sflag:s21] =	ssyncadd.s32 $0xFFFFFFFF  }
0xa8: {  	s24 =	simm.s32 $execute0_lowered;
	[smem:$0x3FD2] =	sst s23  }
0xa9: {  	s4 =	sshll.u32 s24, $0x1;
	_ =	strace $0x80000046;
	[dreg:$0x1] =	wrdreg $0xFFFFFFFF  }
0xaa: {  	s25 =	simm.s32 $_size_execute0_lowered;
	s2 =	sadd.s32 s2, s4;
	[dreg:$0x0] =	wrdreg $0x0  }
0xab: {  	s4 =	sshll.u32 s25, $0x1;
	[dreg:$0x2] =	wrdreg s2  }
0xac: {  	[dreg:$0x3] =	wrdreg s4  }
0xad: {  	[dreg:$0x4] =	wrdreg $0xC0  }
0xae: {  	_ =	task [dreg:s6], $0x5FFFF  }
0xaf: {  	[dreg:$0x1] =	wrdreg $0xFFFFFFFF  }
0xb0: {  	[dreg:$0x0] =	wrdreg $0x60  }
0xb1: {  	[dreg:$0x2] =	wrdreg s22  }
0xb2: {  	[dreg:$0x3] =	wrdreg s14  }
0xb3: {  	[dreg:$0x4] =	wrdreg s15  }
0xb4: {  	[dreg:$0x5] =	wrdreg $0x0  }
0xb5: {  	[dreg:$0x6] =	wrdreg $0x28000  }
0xb6: {  	[dreg:$0x7] =	wrdreg $0x9  }
0xb7: {  	_ =	task.clear_ibuf [dreg:s6], $0x8FFFF;
	_ =	strace $0x90000046  }
0xb8: {  	s26 =	simm.s32 $0x9;
	_ =	strace $0x80000048  }
0xb9: {  	_ =	swait.ge [sflag:s26], $0x1  }
0xba: {  	[sflag:s26] =	ssyncadd.s32 $0xFFFFFFFF  }
0xbb: {  	_ =	strace $0x90000048  }
0xbc: {  	_ =	sfence  }
0xbd: {  	s28 =	sld [smem:$0x0];
	_ =	sdelay $0x1  }
0xbe: {  	s29 =	srdreg.scid  }
0xbf: {  	s30 =	sshll.u32 s29, $0xD;
	s31 =	sshrl.u32 s29, $0x2  }
0xc0: {  	s1 =	sand.u32 $0x1, s29;
	s2 =	sand.u32 $0x4000, s30;
	s0 =	sadd.s32 s31, s28  }
0xc1: {  	s1 =	sor.u32 s2, s1;
	s0 =	sshll.u32 s0, $0x11  }
0xc2: {  	s0 =	sor.u32 s0, s1  }
0xc3: {  	s0 =	sadd.s32 $0x8F2B, s0  }
0xc4: {  	[sflag:s0] =	ssyncadd.remote.s32 $0x1  }
0xc5: {  	_ =	sfence.sel $0xFFFF  }
0xc6: {  	[dreg:$0x0] =	wrdreg $0xFFFFFFFF;
	(pc) =	sbr.abs _section_cstart, $3  }
0xc7: {  	[dreg:$0x1] =	wrdreg $0xFFFFFFFF  }
0xc8: {  	_ =	task.clear_ibuf [dreg:s6], $0x2FFFF;
	_ =	strace $0x9FFFFFFF  }
0xc9: {  	(tm) =	ssettm $0x7FFFFFFF  }
tec
execute0_lowered:
.L_overlay_start_1:
0x0: {  	(tag) =	ssettag $0x1  }
0x1: {  	s7 =	rddreg [dreg:$0x0]  }
0x2: {  	s3 =	rddreg [dreg:$0x1]  }
0x3: {  	s2 =	rddreg [dreg:$0x2]  }
0x4: {  	s5 =	rddreg [dreg:$0x3];
	s0 =	stileid.u32  }
0x5: {  	s4 =	rddreg [dreg:$0x4];
	s8 =	smul.u32 $0x9E0, s0  }
0x6: {  	s1 =	rddreg [dreg:$0x5];
	s6 =	simm.s32 $0x0  }
0x7: {  	s9 =	simm.s32 $0x5000;
	[smem:$0x7FF] =	sst s6;
	s7 =	sadd.s32 s8, s7  }
0x8: {  	s30 =	simm.s32 $0x1;
	_ =	strace $0x80000047;
	s8 =	sadd.s32 $0xC00, s7  }
0x9: {  	[tilespmem:s9], [sflag:$0x1] =	stream.linear.gather [hbm4b:s8+s6], $0x4F00, $0x38;
	[tilespmem:$0xFA00] =	vst v63  }
0xa: {  	_ =	swait.ge [sflag:s30], $0x4F00  }
0xb: {  	[sflag:s30] =	ssyncset.done $0x0  }
0xc: {  	s31 =	simm.s32 $0x9F00;
	s7 =	sadd.s32 $0xAA00, s7;
	[sflag:s30] =	ssyncadd.s32 $0xFFFFB100  }
0xd: {  	[tilespmem:s31], [sflag:$0x1] =	stream.linear.gather [hbm4b:s7+s6], $0x4F00, $0x38;
	[tilespmem:$0xFA00] =	vst v63  }
0xe: {  	_ =	swait.ge [sflag:s30], $0x4F00  }
0xf: {  	[sflag:s30] =	ssyncset.done $0x0  }
0x10: {  	v0 =	vimm.f32 $1.000000000e+00;
	[sflag:s30] =	ssyncadd.s32 $0xFFFFB100  }
.LBB2_1:
0x11: {  	p0 =	sne.s32 s6, $0x1FC0  }
.Ltmp0:
0x12: {  	_ = 	snop;
	(pc) =	sbr.rel @p0 .LBB2_1-.Ltmp0, $3  }
0x13: {  	_ =	sdelay $0x1  }
0x14: {  	s7 =	sshra.s32 s6, $0x2  }
0x15: {  	s6 =	sadd.s32 $0x40, s6;
	[tilespmem:s7+$0xEE00] =	vst v0  }
0x16: {  	v0 =	vimm.f32 $0.0e+00;
	s6 =	simm.s32 $0x40;
	s7 =	simm.s32 $0x0  }
.LBB2_3:
0x17: {  	p0 =	sne.s32 s6, $0xFC0;
	[tilespmem:s7+$0xF600] =	vst v0;
	s7 =	smov.u32 s6;
	s6 =	sadd.s32 $0x40, s6  }
.Ltmp1:
0x18: {  	(pc) =	sbr.rel @p0 .LBB2_3-.Ltmp1, $2  }
0x19: {  	_ =	sdelay $0x2  }
0x1a: {  	s7 =	sshra.s32 s7, $0x2  }
0x1b: {  	s8 =	smul.u32 $0x2800, s0;
	_ =	sdelay $0x1  }
0x1c: {  	[tilespmem:s7+$0xF600] =	vst v0;
	s10 =	simm.s32 $0xF600;
	s9 =	simm.s32 $0x1;
	s7 =	sadd.s32 s8, s5  }
0x1d: {  	[spmem:s7] =	stream.linear.scatter [tilespmem:s10], [sflag:$0x1], $0x400, $0x38;
	[tilespmem:$0xFA00] =	vst v63  }
0x1e: {  	_ =	swait.ge [sflag:s9], $0x400  }
0x1f: {  	[sflag:s9] =	ssyncset.done $0x0  }
0x20: {  	s6 =	sadd.s32 s8, s4;
	[sflag:s9] =	ssyncadd.s32 $0xFFFFFC00  }
0x21: {  	[spmem:s6] =	stream.linear.scatter [tilespmem:s10], [sflag:$0x1], $0x400, $0x38;
	[tilespmem:$0xFA00] =	vst v63  }
0x22: {  	_ =	swait.ge [sflag:s9], $0x400  }
0x23: {  	s11 =	sor.u32 $0x400, s8;
	[sflag:s9] =	ssyncset.done $0x0  }
0x24: {  	s12 =	sadd.s32 s11, s5;
	[sflag:s9] =	ssyncadd.s32 $0xFFFFFC00  }
0x25: {  	[spmem:s12] =	stream.linear.scatter [tilespmem:s10], [sflag:$0x1], $0x400, $0x38;
	[tilespmem:$0xFA00] =	vst v63  }
0x26: {  	_ =	swait.ge [sflag:s9], $0x400  }
0x27: {  	[sflag:s9] =	ssyncset.done $0x0  }
0x28: {  	s11 =	sadd.s32 s11, s4;
	[sflag:s9] =	ssyncadd.s32 $0xFFFFFC00  }
0x29: {  	[spmem:s11] =	stream.linear.scatter [tilespmem:s10], [sflag:$0x1], $0x400, $0x38;
	[tilespmem:$0xFA00] =	vst v63  }
0x2a: {  	_ =	swait.ge [sflag:s9], $0x400  }
0x2b: {  	s13 =	sadd.s32 $0x800, s8;
	[sflag:s9] =	ssyncset.done $0x0  }
0x2c: {  	s14 =	sadd.s32 s13, s5;
	[sflag:s9] =	ssyncadd.s32 $0xFFFFFC00  }
0x2d: {  	[spmem:s14] =	stream.linear.scatter [tilespmem:s10], [sflag:$0x1], $0x400, $0x38;
	[tilespmem:$0xFA00] =	vst v63  }
0x2e: {  	_ =	swait.ge [sflag:s9], $0x400  }
0x2f: {  	[sflag:s9] =	ssyncset.done $0x0  }
0x30: {  	s11 =	sadd.s32 s13, s4;
	[sflag:s9] =	ssyncadd.s32 $0xFFFFFC00  }
0x31: {  	[spmem:s11] =	stream.linear.scatter [tilespmem:s10], [sflag:$0x1], $0x400, $0x38;
	[tilespmem:$0xFA00] =	vst v63  }
0x32: {  	_ =	swait.ge [sflag:s9], $0x400  }
0x33: {  	s15 =	sadd.s32 $0xC00, s8;
	[sflag:s9] =	ssyncset.done $0x0  }
0x34: {  	s16 =	sadd.s32 s15, s5;
	[sflag:s9] =	ssyncadd.s32 $0xFFFFFC00  }
0x35: {  	[spmem:s16] =	stream.linear.scatter [tilespmem:s10], [sflag:$0x1], $0x400, $0x38;
	[tilespmem:$0xFA00] =	vst v63  }
0x36: {  	_ =	swait.ge [sflag:s9], $0x400  }
0x37: {  	[sflag:s9] =	ssyncset.done $0x0  }
0x38: {  	s11 =	sadd.s32 s15, s4;
	[sflag:s9] =	ssyncadd.s32 $0xFFFFFC00  }
0x39: {  	[spmem:s11] =	stream.linear.scatter [tilespmem:s10], [sflag:$0x1], $0x400, $0x38;
	[tilespmem:$0xFA00] =	vst v63  }
0x3a: {  	_ =	swait.ge [sflag:s9], $0x400  }
0x3b: {  	s17 =	sadd.s32 $0x1000, s8;
	[sflag:s9] =	ssyncset.done $0x0  }
0x3c: {  	s18 =	sadd.s32 s17, s5;
	[sflag:s9] =	ssyncadd.s32 $0xFFFFFC00  }
0x3d: {  	[spmem:s18] =	stream.linear.scatter [tilespmem:s10], [sflag:$0x1], $0x400, $0x38;
	[tilespmem:$0xFA00] =	vst v63  }
0x3e: {  	_ =	swait.ge [sflag:s9], $0x400  }
0x3f: {  	[sflag:s9] =	ssyncset.done $0x0  }
0x40: {  	s11 =	sadd.s32 s17, s4;
	[sflag:s9] =	ssyncadd.s32 $0xFFFFFC00  }
0x41: {  	[spmem:s11] =	stream.linear.scatter [tilespmem:s10], [sflag:$0x1], $0x400, $0x38;
	[tilespmem:$0xFA00] =	vst v63  }
0x42: {  	_ =	swait.ge [sflag:s9], $0x400  }
0x43: {  	s19 =	sadd.s32 $0x1400, s8;
	[sflag:s9] =	ssyncset.done $0x0  }
0x44: {  	s20 =	sadd.s32 s19, s5;
	[sflag:s9] =	ssyncadd.s32 $0xFFFFFC00  }
0x45: {  	[spmem:s20] =	stream.linear.scatter [tilespmem:s10], [sflag:$0x1], $0x400, $0x38;
	[tilespmem:$0xFA00] =	vst v63  }
0x46: {  	_ =	swait.ge [sflag:s9], $0x400  }
0x47: {  	[sflag:s9] =	ssyncset.done $0x0  }
0x48: {  	s11 =	sadd.s32 s19, s4;
	[sflag:s9] =	ssyncadd.s32 $0xFFFFFC00  }
0x49: {  	[spmem:s11] =	stream.linear.scatter [tilespmem:s10], [sflag:$0x1], $0x400, $0x38;
	[tilespmem:$0xFA00] =	vst v63  }
0x4a: {  	_ =	swait.ge [sflag:s9], $0x400  }
0x4b: {  	s21 =	sadd.s32 $0x1800, s8;
	[sflag:s9] =	ssyncset.done $0x0  }
0x4c: {  	s22 =	sadd.s32 s21, s5;
	[sflag:s9] =	ssyncadd.s32 $0xFFFFFC00  }
0x4d: {  	[spmem:s22] =	stream.linear.scatter [tilespmem:s10], [sflag:$0x1], $0x400, $0x38;
	[tilespmem:$0xFA00] =	vst v63  }
0x4e: {  	_ =	swait.ge [sflag:s9], $0x400  }
0x4f: {  	[sflag:s9] =	ssyncset.done $0x0  }
0x50: {  	s11 =	sadd.s32 s21, s4;
	[sflag:s9] =	ssyncadd.s32 $0xFFFFFC00  }
0x51: {  	[spmem:s11] =	stream.linear.scatter [tilespmem:s10], [sflag:$0x1], $0x400, $0x38;
	[tilespmem:$0xFA00] =	vst v63  }
0x52: {  	_ =	swait.ge [sflag:s9], $0x400  }
0x53: {  	s23 =	sadd.s32 $0x1C00, s8;
	[sflag:s9] =	ssyncset.done $0x0  }
0x54: {  	s24 =	sadd.s32 s23, s5;
	[sflag:s9] =	ssyncadd.s32 $0xFFFFFC00  }
0x55: {  	[spmem:s24] =	stream.linear.scatter [tilespmem:s10], [sflag:$0x1], $0x400, $0x38;
	[tilespmem:$0xFA00] =	vst v63  }
0x56: {  	_ =	swait.ge [sflag:s9], $0x400  }
0x57: {  	[sflag:s9] =	ssyncset.done $0x0  }
0x58: {  	s11 =	sadd.s32 s23, s4;
	[sflag:s9] =	ssyncadd.s32 $0xFFFFFC00  }
0x59: {  	[spmem:s11] =	stream.linear.scatter [tilespmem:s10], [sflag:$0x1], $0x400, $0x38;
	[tilespmem:$0xFA00] =	vst v63  }
0x5a: {  	_ =	swait.ge [sflag:s9], $0x400  }
0x5b: {  	s25 =	sadd.s32 $0x2000, s8;
	[sflag:s9] =	ssyncset.done $0x0  }
0x5c: {  	s26 =	sadd.s32 s25, s5;
	[sflag:s9] =	ssyncadd.s32 $0xFFFFFC00  }
0x5d: {  	[spmem:s26] =	stream.linear.scatter [tilespmem:s10], [sflag:$0x1], $0x400, $0x38;
	[tilespmem:$0xFA00] =	vst v63  }
0x5e: {  	_ =	swait.ge [sflag:s9], $0x400  }
0x5f: {  	[sflag:s9] =	ssyncset.done $0x0  }
0x60: {  	s11 =	sadd.s32 s25, s4;
	[sflag:s9] =	ssyncadd.s32 $0xFFFFFC00  }
0x61: {  	[spmem:s11] =	stream.linear.scatter [tilespmem:s10], [sflag:$0x1], $0x400, $0x38;
	[tilespmem:$0xFA00] =	vst v63  }
0x62: {  	_ =	swait.ge [sflag:s9], $0x400  }
0x63: {  	s28 =	sadd.s32 $0x2400, s8;
	[sflag:s9] =	ssyncset.done $0x0  }
0x64: {  	s29 =	sadd.s32 s28, s5;
	[sflag:s9] =	ssyncadd.s32 $0xFFFFFC00  }
0x65: {  	[spmem:s29] =	stream.linear.scatter [tilespmem:s10], [sflag:$0x1], $0x400, $0x38;
	[tilespmem:$0xFA00] =	vst v63  }
0x66: {  	_ =	swait.ge [sflag:s9], $0x400  }
0x67: {  	[sflag:s9] =	ssyncset.done $0x0  }
0x68: {  	s11 =	sadd.s32 s28, s4;
	[sflag:s9] =	ssyncadd.s32 $0xFFFFFC00  }
0x69: {  	[spmem:s11] =	stream.linear.scatter [tilespmem:s10], [sflag:$0x1], $0x400, $0x38;
	[tilespmem:$0xFA00] =	vst v63  }
0x6a: {  	_ =	swait.ge [sflag:s9], $0x400  }
0x6b: {  	[sflag:s9] =	ssyncset.done $0x0  }
0x6c: {  	s30 =	simm.s32 $0x5000;
	[sflag:s9] =	ssyncadd.s32 $0xFFFFFC00  }
0x6d: {  	s10 =	simm.s32 $0x80;
	s11 =	simm.s32 $0xEE00;
	[bflag:$0x0] =	sbarrier.arrive $0xFFFF  }
0x6e: {  	[spmem:s5] =	stream.indirect.scatter.add.f32 [tilespmem:s11], [sflag:$0x1], $0x10, s30, s10, $0xb8;
	[tilespmem:$0xFA00] =	vst v63  }
0x6f: {  	_ =	swait.ge [sflag:s9], $0x800  }
0x70: {  	[sflag:s9] =	ssyncset.done $0x0  }
0x71: {  	s31 =	simm.s32 $0x9F00;
	[sflag:s9] =	ssyncadd.s32 $0xFFFFF800  }
0x72: {  	[spmem:s4] =	stream.indirect.scatter.add.f32 [tilespmem:s11], [sflag:$0x1], $0x10, s31, s10, $0xb8;
	[tilespmem:$0xFA00] =	vst v63  }
0x73: {  	_ =	swait.ge [sflag:s9], $0x800  }
0x74: {  	s12 =	simm.s32 $0x80;
	s13 =	simm.s32 $0x400;
	[sflag:s9] =	ssyncset.done $0x0  }
.LBB2_5:
0x75: {  	s14 =	sadd.s32 $0x5000, s12  }
0x76: {  	[sflag:s9] =	ssyncadd.s32 $0xFFFFF800;
	s15 =	smov.u32 s13;
	s16 =	sadd.s32 $0x200, s13  }
0x77: {  	[spmem:s5] =	stream.indirect.scatter.add.f32 [tilespmem:s11], [sflag:$0x1], $0x10, s14, s10, $0xb8;
	[tilespmem:$0xFA00] =	vst v63  }
0x78: {  	p0 =	sne.s32 s13, $0x13A00;
	_ =	swait.ge [sflag:s9], $0x800  }
.Ltmp2:
0x79: {  	[sflag:s9] =	ssyncset.done $0x0;
	(pc) =	sbr.rel @p0 .LBB2_5-.Ltmp2, $4  }
0x7a: {  	s12 =	sadd.s32 $0x9F00, s12;
	[sflag:s9] =	ssyncadd.s32 $0xFFFFF800  }
0x7b: {  	[spmem:s4] =	stream.indirect.scatter.add.f32 [tilespmem:s11], [sflag:$0x1], $0x10, s12, s10, $0xb8;
	[tilespmem:$0xFA00] =	vst v63  }
0x7c: {  	_ =	swait.ge [sflag:s9], $0x800  }
0x7d: {  	s13 =	smov.u32 s16;
	s12 =	sshra.s32 s15, $0x2;
	[sflag:s9] =	ssyncset.done $0x0  }
0x7e: {  	s13 =	sadd.s32 $0x5000, s12;
	[sflag:s9] =	ssyncadd.s32 $0xFFFFF800  }
0x7f: {  	[spmem:s5] =	stream.indirect.scatter.add.f32 [tilespmem:s11], [sflag:$0x1], $0x10, s13, s10, $0xb8;
	[tilespmem:$0xFA00] =	vst v63  }
0x80: {  	_ =	swait.ge [sflag:s9], $0x800  }
0x81: {  	[sflag:s9] =	ssyncset.done $0x0  }
0x82: {  	s26 =	sadd.s32 $0x9F00, s12;
	[sflag:s9] =	ssyncadd.s32 $0xFFFFF800  }
0x83: {  	[spmem:s4] =	stream.indirect.scatter.add.f32 [tilespmem:s11], [sflag:$0x1], $0x10, s26, s10, $0xb8;
	[tilespmem:$0xFA00] =	vst v63  }
0x84: {  	_ =	swait.ge [sflag:s9], $0x800  }
0x85: {  	s28 =	sshrl.u32 s8, $0x3;
	s29 =	sshll.u32 s0, $0x6;
	[sflag:s9] =	ssyncset.done $0x0  }
0x86: {  	s7 =	sshrl.u32 s7, $0x3;
	s30 =	simm.s32 $0x1;
	[sflag:s9] =	ssyncadd.s32 $0xFFFFF800  }
0x87: {  	s3 =	sadd.s32 s3, s28;
	s5 =	sor.u32 $0x1C01, s29;
	[bflag:$0x0] =	sbarrier.arrive $0xFFFF  }
0x88: {  	[hbm:s3], [sflag:s5] =	dma.local [spmem:s7], $0x500  }
0x89: {  	_ =	swait.ge [sflag:s30], $0x500  }
0x8a: {  	[sflag:s30] =	ssyncset.done $0x0  }
0x8b: {  	s31 =	sshrl.u32 s6, $0x3;
	s2 =	sadd.s32 s2, s28;
	[sflag:s30] =	ssyncadd.s32 $0xFFFFFB00  }
0x8c: {  	[hbm:s2], [sflag:s5] =	dma.local [spmem:s31], $0x500  }
0x8d: {  	_ =	swait.ge [sflag:s30], $0x500  }
0x8e: {  	[sflag:s30] =	ssyncset.done $0x0  }
0x8f: {  	[sflag:s30] =	ssyncadd.s32 $0xFFFFFB00  }
0x90: {  	_ =	sfence.sel $0x180000  }
0x91: {  	[bflag:$0x0] =	sbarrier.arrive $0xFFFF  }
0x92: {  	p0 =	sne.s32 s0, $0x0;
	_ =	strace $0x90000047  }
0x93: {  	s0 =	sadd.s32 @!p0 $0x100000, s1;
	[bflag:$0x2] =	sbarrier.arrive $0xFFFF  }
0x94: {  	[sflag:s0] =	ssyncadd.tile.s32 @!p0 $0x1;
	_ =	shalt  }
.Lfunc_end2:
_tile_overlayer_lowered:
.L_overlay_start_2:
0x95: {  	(tag) =	ssettag $0x2  }
0x96: {  	s0 =	rddreg [dreg:$0x0];
	s2 =	stileid.u32  }
0x97: {  	s1 =	rddreg [dreg:$0x1];
	p0 =	sne.s32 s2, $0x0  }
0x98: {  	s3 =	rddreg [dreg:$0x2];
	[bflag:$0x3] =	sbarrier.arrive $0xFFFF;
	s2 =	simm.s32 @!p0 $0x1C01  }
0x99: {  	[timem:s3], [sflag:s2] =	dma.local @!p0 [hbm:s0], s1  }
0x9a: {  	s0 =	simm.s32 @!p0 $0x1  }
0x9b: {  	_ =	swait.ge @!p0 [sflag:s0], s1  }
0x9c: {  	s1 =	ssub.s32 @!p0 $0x0, s1;
	[sflag:s0] =	ssyncset.done @!p0 $0x0  }
0x9d: {  	[sflag:s0] =	ssyncadd.s32 @!p0 s1  }
0x9e: {  	[bflag:$0x3] =	sbarrier.arrive $0xFFFF  }
0x9f: {  	_ =	shalt  }

</sc_bundles>
